<compile_context>
chip_gen: v7x
topology: tpu7x:2x2x1
jax: 0.10.2.dev20260603
libtpu: 0.0.44.dev20260713+nightly
codegen_flags: <defaults>
</compile_context>

<pallas_src>
import jax
import jax.numpy as jnp
from jax import lax
from jax.experimental import pallas as pl
from jax.experimental.pallas import tpu as pltpu
from jax.experimental.pallas import tpu_sc as plsc

N = 10000
E = 320000
F_IN = 128
HID = 64
C_OUT = 2

NCORES = 2
NSUB = 16
NW = NCORES * NSUB
EPT = E // NW
CHUNK = 128
EROWS = E // CHUNK
NCHB = EROWS // NW
EXTRA = EROWS % NW
OSL = N // NSUB
TAB2 = 2 * N

_MESH = plsc.VectorSubcoreMesh(core_axis_name="c", subcore_axis_name="s")
_SC_PARAMS = pltpu.CompilerParams(
    needs_layout_passes=False, use_tc_tiling_on_sc=False)


def _hist_body(dst_hbm, out_hbm, idx_v, acc_v, sem):
    c = lax.axis_index("c")
    s = lax.axis_index("s")
    t = c * NSUB + s
    pltpu.async_copy(dst_hbm.at[pl.ds(t * EPT, EPT)], idx_v, sem).wait()
    zero16 = jnp.zeros((16,), jnp.float32)
    one16 = jnp.ones((16,), jnp.float32)

    def zbody(i, carry):
        acc_v[pl.ds(i * 16, 16)] = zero16
        return carry

    lax.fori_loop(0, N // 16, zbody, 0)

    def body(i, carry):
        d = idx_v[pl.ds(i * 16, 16)]
        plsc.addupdate_scatter(acc_v, [d], one16)
        return carry

    lax.fori_loop(0, EPT // 16, body, 0)
    pltpu.sync_copy(acc_v, out_hbm.at[t])


_hist = pl.kernel(
    _hist_body,
    mesh=_MESH,
    compiler_params=_SC_PARAMS,
    out_type=jax.ShapeDtypeStruct((NW, N), jnp.float32),
    scratch_types=[
        pltpu.VMEM((EPT,), jnp.int32),
        pltpu.VMEM((N,), jnp.float32),
        pltpu.SemaphoreType.DMA,
    ],
)


def _agg64_body(tab_hbm, src_hbm, dst_hbm, zrow_hbm, out_hbm,
                sidx_v, didx_v, rows_v, rows1_v, tab_sh, acc_sh,
                sem, sem0, sem1):
    c = lax.axis_index("c")
    s = lax.axis_index("s")
    t = c * NSUB + s
    base = NCHB * t + jnp.minimum(t, EXTRA)
    pltpu.async_copy(zrow_hbm, acc_sh.at[pl.ds(s * OSL, OSL), :], sem).wait()
    pltpu.sync_copy(tab_hbm.at[pl.ds(s * OSL, OSL), :],
                    tab_sh.at[pl.ds(s * OSL, OSL), :])
    pltpu.async_copy(src_hbm.at[pl.ds(base, NCHB), :],
                     sidx_v.at[pl.ds(0, NCHB), :], sem).wait()
    pltpu.async_copy(dst_hbm.at[pl.ds(base, NCHB), :],
                     didx_v.at[pl.ds(0, NCHB), :], sem).wait()

    @pl.when(t < EXTRA)
    def _():
        pltpu.async_copy(src_hbm.at[pl.ds(base + NCHB, 1), :],
                         sidx_v.at[pl.ds(NCHB, 1), :], sem).wait()
        pltpu.async_copy(dst_hbm.at[pl.ds(base + NCHB, 1), :],
                         didx_v.at[pl.ds(NCHB, 1), :], sem).wait()

    plsc.subcore_barrier()

    def gstart(j, buf, gsem):
        pltpu.async_copy(tab_sh.at[sidx_v.at[j]], buf, gsem)

    def gwait(j, buf, gsem):
        pltpu.make_async_copy(tab_sh.at[sidx_v.at[j]], buf, gsem).wait()

    def scat(j, buf):
        pltpu.sync_copy(buf, acc_sh.at[didx_v.at[j]], add=True)

    gstart(0, rows_v, sem0)

    def body(k, carry):
        j0 = 2 * k
        gwait(j0, rows_v, sem0)
        gstart(j0 + 1, rows1_v, sem1)
        scat(j0, rows_v)
        gwait(j0 + 1, rows1_v, sem1)

        @pl.when(k < NCHB // 2 - 1)
        def _():
            gstart(j0 + 2, rows_v, sem0)

        scat(j0 + 1, rows1_v)
        return carry

    lax.fori_loop(0, NCHB // 2, body, 0)

    @pl.when(t < EXTRA)
    def _():
        pltpu.async_copy(tab_sh.at[sidx_v.at[NCHB]], rows_v, sem0).wait()
        scat(NCHB, rows_v)

    plsc.subcore_barrier()
    pltpu.sync_copy(acc_sh.at[pl.ds(s * OSL, OSL), :],
                    out_hbm.at[c, pl.ds(s * OSL, OSL), :])


_agg64 = pl.kernel(
    _agg64_body,
    mesh=_MESH,
    compiler_params=_SC_PARAMS,
    out_type=jax.ShapeDtypeStruct((NCORES, N, HID), jnp.float32),
    scratch_types=[
        pltpu.VMEM((NCHB + 1, CHUNK), jnp.int32),
        pltpu.VMEM((NCHB + 1, CHUNK), jnp.int32),
        pltpu.VMEM((CHUNK, HID), jnp.float32),
        pltpu.VMEM((CHUNK, HID), jnp.float32),
        pltpu.VMEM_SHARED((N, HID), jnp.float32),
        pltpu.VMEM_SHARED((N, HID), jnp.float32),
        pltpu.SemaphoreType.DMA,
        pltpu.SemaphoreType.DMA,
        pltpu.SemaphoreType.DMA,
    ],
)


def _agg2_body(tab_hbm, src_hbm, dst_hbm, out_hbm,
               tab_v, src_v, dst_v, acc_v, sem):
    c = lax.axis_index("c")
    s = lax.axis_index("s")
    t = c * NSUB + s
    pltpu.async_copy(tab_hbm, tab_v, sem).wait()
    pltpu.async_copy(src_hbm.at[pl.ds(t * EPT, EPT)], src_v, sem).wait()
    pltpu.async_copy(dst_hbm.at[pl.ds(t * EPT, EPT)], dst_v, sem).wait()
    zero16 = jnp.zeros((16,), jnp.float32)

    def zbody(i, carry):
        acc_v[pl.ds(i * 16, 16)] = zero16
        return carry

    lax.fori_loop(0, TAB2 // 16, zbody, 0)

    def body(i, carry):
        sv = src_v[pl.ds(i * 16, 16)] * 2
        dv = dst_v[pl.ds(i * 16, 16)] * 2
        c0 = plsc.load_gather(tab_v, [sv])
        c1 = plsc.load_gather(tab_v, [sv + 1])
        plsc.addupdate_scatter(acc_v, [dv], c0)
        plsc.addupdate_scatter(acc_v, [dv + 1], c1)
        return carry

    lax.fori_loop(0, EPT // 16, body, 0)
    pltpu.sync_copy(acc_v, out_hbm.at[t])


_agg2 = pl.kernel(
    _agg2_body,
    mesh=_MESH,
    compiler_params=_SC_PARAMS,
    out_type=jax.ShapeDtypeStruct((NW, TAB2), jnp.float32),
    scratch_types=[
        pltpu.VMEM((TAB2,), jnp.float32),
        pltpu.VMEM((EPT,), jnp.int32),
        pltpu.VMEM((EPT,), jnp.int32),
        pltpu.VMEM((TAB2,), jnp.float32),
        pltpu.SemaphoreType.DMA,
    ],
)


_RB = 1000


def _tc1_body(x_ref, w1_ref, hist_ref, h1s_ref, dis_ref):
    deg = jnp.sum(hist_ref[...], axis=1, keepdims=True) + 1.0
    dis = lax.rsqrt(deg)
    h = jnp.dot(x_ref[...], w1_ref[...], preferred_element_type=jnp.float32)
    h1s_ref[...] = h * dis
    dis_ref[...] = dis


def _tc1(x, w1, hist_parts):
    return pl.pallas_call(
        _tc1_body,
        grid=(N // _RB,),
        in_specs=[
            pl.BlockSpec((_RB, F_IN), lambda i: (i, 0)),
            pl.BlockSpec((F_IN, HID), lambda i: (0, 0)),
            pl.BlockSpec((_RB, NW), lambda i: (i, 0)),
        ],
        out_specs=[
            pl.BlockSpec((_RB, HID), lambda i: (i, 0)),
            pl.BlockSpec((_RB, 1), lambda i: (i, 0)),
        ],
        out_shape=[
            jax.ShapeDtypeStruct((N, HID), jnp.float32),
            jax.ShapeDtypeStruct((N, 1), jnp.float32),
        ],
    )(x, w1, hist_parts)


def _tc2_body(p_ref, h1s_ref, dis_ref, b1_ref, w2_ref, h2s_ref):
    agg = p_ref[0] + p_ref[1] + h1s_ref[...]
    z = jnp.maximum(agg * dis_ref[...] + b1_ref[...], 0.0)
    h2 = jnp.dot(z, w2_ref[...], preferred_element_type=jnp.float32)
    h2s_ref[...] = h2 * dis_ref[...]


def _tc2(parts, h1s, dis, b1, w2):
    return pl.pallas_call(
        _tc2_body,
        grid=(N // _RB,),
        in_specs=[
            pl.BlockSpec((NCORES, _RB, HID), lambda i: (0, i, 0)),
            pl.BlockSpec((_RB, HID), lambda i: (i, 0)),
            pl.BlockSpec((_RB, 1), lambda i: (i, 0)),
            pl.BlockSpec((1, HID), lambda i: (0, 0)),
            pl.BlockSpec((HID, C_OUT), lambda i: (0, 0)),
        ],
        out_specs=pl.BlockSpec((_RB, C_OUT), lambda i: (i, 0)),
        out_shape=jax.ShapeDtypeStruct((N, C_OUT), jnp.float32),
    )(parts, h1s, dis, b1, w2)


_RB3 = 2000


def _tc3_body(p_ref, h_ref, dis_ref, b_ref, o_ref):
    aggsum = jnp.sum(p_ref[...], axis=1, keepdims=True)
    o_ref[...] = dis_ref[...] * (aggsum + h_ref[...]) + b_ref[...]


def _tc3(parts_t, h2s_flat, dis_rep, b2_rep):
    return pl.pallas_call(
        _tc3_body,
        grid=(TAB2 // _RB3,),
        in_specs=[
            pl.BlockSpec((_RB3, NW), lambda i: (i, 0)),
            pl.BlockSpec((_RB3, 1), lambda i: (i, 0)),
            pl.BlockSpec((_RB3, 1), lambda i: (i, 0)),
            pl.BlockSpec((_RB3, 1), lambda i: (i, 0)),
        ],
        out_specs=pl.BlockSpec((_RB3, 1), lambda i: (i, 0)),
        out_shape=jax.ShapeDtypeStruct((TAB2, 1), jnp.float32),
    )(parts_t, h2s_flat, dis_rep, b2_rep)


def kernel(x, edge_index, W1, b1, W2, b2):
    src = edge_index[0]
    dst = edge_index[1]

    hist_parts = _hist(dst)
    h1s, dis = _tc1(x, W1, hist_parts.T)
    parts1 = _agg64(h1s,
                    src.reshape(EROWS, CHUNK),
                    dst.reshape(EROWS, CHUNK),
                    jnp.zeros((OSL, HID), jnp.float32))
    h2s = _tc2(parts1, h1s, dis, b1.reshape(1, -1), W2)
    parts2 = _agg2(h2s.reshape(-1), src, dst)
    out_flat = _tc3(parts2.T,
                    h2s.reshape(-1, 1),
                    jnp.repeat(dis, 2, axis=0),
                    jnp.tile(b2, N).reshape(-1, 1))
    return out_flat.reshape(N, C_OUT)

# --- scband reference (transcript-rebuilt; emitter-appended) ---
"""Pipeline reference for scband-gcn-mult-3770981285985 (READ-ONLY COPY).

The authoritative reference and input builder live on the scoring server;
editing this copy changes nothing except your own understanding.
"""

import jax, jax.numpy as jnp
import numpy as np

N = 10000
E = 320000
F_IN = 128
HID = 64
C_OUT = 2


def setup_inputs(seed: int = 0) -> dict:
    key = jax.random.key(seed)
    k1, k2, k3, k4 = jax.random.split(key, 4)
    x = jax.random.normal(k1, (N, F_IN), dtype=jnp.float32)
    edge_index = jax.random.randint(k2, (2, E), 0, N, dtype=jnp.int32)
    W1 = jax.random.normal(k3, (F_IN, HID), dtype=jnp.float32) * (1.0 / np.sqrt(F_IN))
    b1 = jnp.zeros((HID,), dtype=jnp.float32)
    W2 = jax.random.normal(k4, (HID, C_OUT), dtype=jnp.float32) * (1.0 / np.sqrt(HID))
    b2 = jnp.zeros((C_OUT,), dtype=jnp.float32)
    return {"x": x, "edge_index": edge_index, "W1": W1, "b1": b1, "W2": W2, "b2": b2}


def gcn_conv(x, edge_index, W, b):
    # PyG GCNConv: add self-loops, symmetric normalization D^-1/2 (A+I) D^-1/2, then linear + bias
    n = x.shape[0]
    loop = jnp.arange(n, dtype=edge_index.dtype)
    src = jnp.concatenate([edge_index[0], loop])
    dst = jnp.concatenate([edge_index[1], loop])
    deg = jnp.zeros((n,), x.dtype).at[dst].add(jnp.ones_like(dst, dtype=x.dtype))
    deg_inv_sqrt = jnp.where(deg > 0, jax.lax.rsqrt(jnp.maximum(deg, 1e-12)), 0.0)
    norm = deg_inv_sqrt[src] * deg_inv_sqrt[dst]
    h = x @ W
    msg = h[src] * norm[:, None]
    out = jnp.zeros((n, h.shape[1]), h.dtype).at[dst].add(msg)
    return out + b


def reference(x, edge_index, W1, b1, W2, b2):
    h = gcn_conv(x, edge_index, W1, b1)
    h = jax.nn.relu(h)
    # F.dropout with training=self.training: identity in eval mode
    out = gcn_conv(h, edge_index, W2, b2)
    return out

if __name__ == "__main__":
    import jax
    _d = setup_inputs()
    print(jax.jit(kernel)(*tuple(_d.values())))

</pallas_src>

<mosaic_0001>
#map = affine_map<(d0, d1) -> (0)>
#map1 = affine_map<(d0, d1) -> (0, 0)>
module attributes {stable_mosaic.version = 14 : i64} {
  func.func @_hist_body(%arg0: i32, %arg1: i32, %arg2: memref<320000xi32, #tpu.memory_space<hbm>>, %arg3: memref<32x10000xf32, #tpu.memory_space<hbm>>, %arg4: memref<10000xi32, #tpu.memory_space<vmem>>, %arg5: memref<10000xf32, #tpu.memory_space<vmem>>, %arg6: memref<!tpu.dma_semaphore, #tpu.memory_space<semaphore_mem>>) attributes {dimension_semantics = [#tpu.dimension_semantics<core_parallel>, #tpu.dimension_semantics<subcore_parallel>], iteration_bounds = array<i64: 2, 16>, scalar_prefetch = 0 : i64, scratch_operands = 3 : i64, tpu.core_type = #tpu.core_type<sc_vector_subcore>, window_params = [{transform_indices = #map}, {transform_indices = #map1}]} {
    %mul3A = arith.constant 16 : i32
    %mul3A_0 = arith.muli %arg0, %mul3A : i32
    %add3A = arith.addi %mul3A_0, %arg1 : i32
    %mul3A_1 = arith.constant 10000 : i32
    %mul3A_2 = arith.muli %add3A, %mul3A_1 : i32
    %dma_start3A = tpu.memref_slice %arg2[%mul3A_2] : memref<320000xi32, #tpu.memory_space<hbm>> -> memref<10000xi32, #tpu.memory_space<hbm>>
    %dma_start3A_3 = tpu.memref_slice %arg2[%mul3A_2] : memref<320000xi32, #tpu.memory_space<hbm>> -> memref<10000xi32, #tpu.memory_space<hbm>>
    tpu.enqueue_dma source(%dma_start3A_3 : memref<10000xi32, #tpu.memory_space<hbm>>) target(%arg4 : memref<10000xi32, #tpu.memory_space<vmem>>) target_semaphore(%arg6 : memref<!tpu.dma_semaphore, #tpu.memory_space<semaphore_mem>>)
    %dma_wait3A = tpu.memref_slice %arg2[%mul3A_2] : memref<320000xi32, #tpu.memory_space<hbm>> -> memref<10000xi32, #tpu.memory_space<hbm>>
    %dma_wait3A_4 = tpu.memref_slice %arg2[%mul3A_2] : memref<320000xi32, #tpu.memory_space<hbm>> -> memref<10000xi32, #tpu.memory_space<hbm>>
    tpu.wait_dma2 semaphore(%arg6 : memref<!tpu.dma_semaphore, #tpu.memory_space<semaphore_mem>>) src(%dma_wait3A_4 : memref<10000xi32, #tpu.memory_space<hbm>>) dst(%arg4 : memref<10000xi32, #tpu.memory_space<vmem>>)
    %broadcast_in_dim3A = arith.constant 0.000000e+00 : f32
    %broadcast_in_dim3A_5 = vector.broadcast %broadcast_in_dim3A : f32 to vector<16xf32>
    %broadcast_in_dim3A_6 = arith.constant 1.000000e+00 : f32
    %broadcast_in_dim3A_7 = vector.broadcast %broadcast_in_dim3A_6 : f32 to vector<16xf32>
    %scan3A = arith.constant 0 : i32
    %scan3A_8 = arith.constant 0 : i32
    %scan3A_9 = arith.constant 625 : i32
    %scan3A_10 = arith.addi %scan3A_8, %scan3A_9 : i32
    %scan3A_11 = arith.constant 1 : i32
    scf.for %scan3A_19 = %scan3A_8 to %scan3A_10 step %scan3A_11  : i32 {
      %mul3A_20 = arith.constant 16 : i32
      %mul3A_21 = arith.muli %scan3A_19, %mul3A_20 : i32
      %swap3A = arith.index_cast %mul3A_21 : i32 to index
      %swap3A_22 = tpu.vector_load %arg5[%swap3A] {strides = array<i32>} : memref<10000xf32, #tpu.memory_space<vmem>>, vector<16xf32>,
      tpu.vector_store %arg5[%swap3A], %broadcast_in_dim3A_5 {strides = array<i32>} : memref<10000xf32, #tpu.memory_space<vmem>>, vector<16xf32>,
    }
    %scan3A_12 = arith.constant 625 : i32
    %scan3A_13 = arith.constant 0 : i32
    %scan3A_14 = arith.constant 0 : i32
    %scan3A_15 = arith.constant 625 : i32
    %scan3A_16 = arith.addi %scan3A_14, %scan3A_15 : i32
    %scan3A_17 = arith.constant 1 : i32
    scf.for %scan3A_19 = %scan3A_14 to %scan3A_16 step %scan3A_17  : i32 {
      %mul3A_20 = arith.constant 16 : i32
      %mul3A_21 = arith.muli %scan3A_19, %mul3A_20 : i32
      %get3A = arith.index_cast %mul3A_21 : i32 to index
      %get3A_22 = tpu.vector_load %arg4[%get3A] {strides = array<i32>} : memref<10000xi32, #tpu.memory_space<vmem>>, vector<16xi32>,
      tpu.vector_store_idx %arg5[%get3A_22], %broadcast_in_dim3A_7 {add = true} : memref<10000xf32, #tpu.memory_space<vmem>>[vector<16xi32>], vector<16xf32>,
    }
    %scan3A_18 = arith.constant 625 : i32
    "tpu.region"() ({
      %run_scoped3A = tpu.sem_alloc : memref<!tpu.dma_semaphore, #tpu.memory_space<semaphore_mem>>
      %dma_start3A_19 = arith.constant 0 : i32
      %dma_start3A_20 = tpu.memref_slice %arg3[%add3A, %dma_start3A_19] : memref<32x10000xf32, #tpu.memory_space<hbm>> -> memref<1x10000xf32, #tpu.memory_space<hbm>>
      %dma_start3A_21 = tpu.memref_squeeze %dma_start3A_20 : memref<1x10000xf32, #tpu.memory_space<hbm>> -> memref<10000xf32, #tpu.memory_space<hbm>>
      %dma_start3A_22 = arith.constant 0 : i32
      %dma_start3A_23 = tpu.memref_slice %arg3[%add3A, %dma_start3A_22] : memref<32x10000xf32, #tpu.memory_space<hbm>> -> memref<1x10000xf32, #tpu.memory_space<hbm>>
      %dma_start3A_24 = tpu.memref_squeeze %dma_start3A_23 : memref<1x10000xf32, #tpu.memory_space<hbm>> -> memref<10000xf32, #tpu.memory_space<hbm>>
      tpu.enqueue_dma source(%arg5 : memref<10000xf32, #tpu.memory_space<vmem>>) target(%dma_start3A_24 : memref<10000xf32, #tpu.memory_space<hbm>>) target_semaphore(%run_scoped3A : memref<!tpu.dma_semaphore, #tpu.memory_space<semaphore_mem>>)
      %dma_wait3A_25 = arith.constant 0 : i32
      %dma_wait3A_26 = tpu.memref_slice %arg3[%add3A, %dma_wait3A_25] : memref<32x10000xf32, #tpu.memory_space<hbm>> -> memref<1x10000xf32, #tpu.memory_space<hbm>>
      %dma_wait3A_27 = tpu.memref_squeeze %dma_wait3A_26 : memref<1x10000xf32, #tpu.memory_space<hbm>> -> memref<10000xf32, #tpu.memory_space<hbm>>
      %dma_wait3A_28 = arith.constant 0 : i32
      %dma_wait3A_29 = tpu.memref_slice %arg3[%add3A, %dma_wait3A_28] : memref<32x10000xf32, #tpu.memory_space<hbm>> -> memref<1x10000xf32, #tpu.memory_space<hbm>>
      %dma_wait3A_30 = tpu.memref_squeeze %dma_wait3A_29 : memref<1x10000xf32, #tpu.memory_space<hbm>> -> memref<10000xf32, #tpu.memory_space<hbm>>
      tpu.wait_dma2 semaphore(%run_scoped3A : memref<!tpu.dma_semaphore, #tpu.memory_space<semaphore_mem>>) src(%arg5 : memref<10000xf32, #tpu.memory_space<vmem>>) dst(%dma_wait3A_30 : memref<10000xf32, #tpu.memory_space<hbm>>)
      tpu.yield
    }) : () -> ()
    return
  }
}

#map = affine_map<(d0, d1) -> (0)>
#map1 = affine_map<(d0, d1) -> (0, 0)>
module attributes {stable_mosaic.version = 14 : i64} {
  func.func @_agg2_body(%arg0: i32, %arg1: i32, %arg2: memref<20000xf32, #tpu.memory_space<hbm>>, %arg3: memref<320000xi32, #tpu.memory_space<hbm>>, %arg4: memref<320000xi32, #tpu.memory_space<hbm>>, %arg5: memref<32x20000xf32, #tpu.memory_space<hbm>>, %arg6: memref<20000xf32, #tpu.memory_space<vmem>>, %arg7: memref<10000xi32, #tpu.memory_space<vmem>>, %arg8: memref<10000xi32, #tpu.memory_space<vmem>>, %arg9: memref<20000xf32, #tpu.memory_space<vmem>>, %arg10: memref<!tpu.dma_semaphore, #tpu.memory_space<semaphore_mem>>) attributes {dimension_semantics = [#tpu.dimension_semantics<core_parallel>, #tpu.dimension_semantics<subcore_parallel>], iteration_bounds = array<i64: 2, 16>, scalar_prefetch = 0 : i64, scratch_operands = 5 : i64, tpu.core_type = #tpu.core_type<sc_vector_subcore>, window_params = [{transform_indices = #map}, {transform_indices = #map}, {transform_indices = #map}, {transform_indices = #map1}]} {
    %mul3A = arith.constant 16 : i32
    %mul3A_0 = arith.muli %arg0, %mul3A : i32
    %add3A = arith.addi %mul3A_0, %arg1 : i32
    tpu.enqueue_dma source(%arg2 : memref<20000xf32, #tpu.memory_space<hbm>>) target(%arg6 : memref<20000xf32, #tpu.memory_space<vmem>>) target_semaphore(%arg10 : memref<!tpu.dma_semaphore, #tpu.memory_space<semaphore_mem>>)
    tpu.wait_dma2 semaphore(%arg10 : memref<!tpu.dma_semaphore, #tpu.memory_space<semaphore_mem>>) src(%arg2 : memref<20000xf32, #tpu.memory_space<hbm>>) dst(%arg6 : memref<20000xf32, #tpu.memory_space<vmem>>)
    %mul3A_1 = arith.constant 10000 : i32
    %mul3A_2 = arith.muli %add3A, %mul3A_1 : i32
    %dma_start3A = tpu.memref_slice %arg3[%mul3A_2] : memref<320000xi32, #tpu.memory_space<hbm>> -> memref<10000xi32, #tpu.memory_space<hbm>>
    %dma_start3A_3 = tpu.memref_slice %arg3[%mul3A_2] : memref<320000xi32, #tpu.memory_space<hbm>> -> memref<10000xi32, #tpu.memory_space<hbm>>
    tpu.enqueue_dma source(%dma_start3A_3 : memref<10000xi32, #tpu.memory_space<hbm>>) target(%arg7 : memref<10000xi32, #tpu.memory_space<vmem>>) target_semaphore(%arg10 : memref<!tpu.dma_semaphore, #tpu.memory_space<semaphore_mem>>)
    %dma_wait3A = tpu.memref_slice %arg3[%mul3A_2] : memref<320000xi32, #tpu.memory_space<hbm>> -> memref<10000xi32, #tpu.memory_space<hbm>>
    %dma_wait3A_4 = tpu.memref_slice %arg3[%mul3A_2] : memref<320000xi32, #tpu.memory_space<hbm>> -> memref<10000xi32, #tpu.memory_space<hbm>>
    tpu.wait_dma2 semaphore(%arg10 : memref<!tpu.dma_semaphore, #tpu.memory_space<semaphore_mem>>) src(%dma_wait3A_4 : memref<10000xi32, #tpu.memory_space<hbm>>) dst(%arg7 : memref<10000xi32, #tpu.memory_space<vmem>>)
    %mul3A_5 = arith.constant 10000 : i32
    %mul3A_6 = arith.muli %add3A, %mul3A_5 : i32
    %dma_start3A_7 = tpu.memref_slice %arg4[%mul3A_6] : memref<320000xi32, #tpu.memory_space<hbm>> -> memref<10000xi32, #tpu.memory_space<hbm>>
    %dma_start3A_8 = tpu.memref_slice %arg4[%mul3A_6] : memref<320000xi32, #tpu.memory_space<hbm>> -> memref<10000xi32, #tpu.memory_space<hbm>>
    tpu.enqueue_dma source(%dma_start3A_8 : memref<10000xi32, #tpu.memory_space<hbm>>) target(%arg8 : memref<10000xi32, #tpu.memory_space<vmem>>) target_semaphore(%arg10 : memref<!tpu.dma_semaphore, #tpu.memory_space<semaphore_mem>>)
    %dma_wait3A_9 = tpu.memref_slice %arg4[%mul3A_6] : memref<320000xi32, #tpu.memory_space<hbm>> -> memref<10000xi32, #tpu.memory_space<hbm>>
    %dma_wait3A_10 = tpu.memref_slice %arg4[%mul3A_6] : memref<320000xi32, #tpu.memory_space<hbm>> -> memref<10000xi32, #tpu.memory_space<hbm>>
    tpu.wait_dma2 semaphore(%arg10 : memref<!tpu.dma_semaphore, #tpu.memory_space<semaphore_mem>>) src(%dma_wait3A_10 : memref<10000xi32, #tpu.memory_space<hbm>>) dst(%arg8 : memref<10000xi32, #tpu.memory_space<vmem>>)
    %broadcast_in_dim3A = arith.constant 0.000000e+00 : f32
    %broadcast_in_dim3A_11 = vector.broadcast %broadcast_in_dim3A : f32 to vector<16xf32>
    %scan3A = arith.constant 0 : i32
    %scan3A_12 = arith.constant 0 : i32
    %scan3A_13 = arith.constant 1250 : i32
    %scan3A_14 = arith.addi %scan3A_12, %scan3A_13 : i32
    %scan3A_15 = arith.constant 1 : i32
    scf.for %scan3A_23 = %scan3A_12 to %scan3A_14 step %scan3A_15  : i32 {
      %mul3A_24 = arith.constant 16 : i32
      %mul3A_25 = arith.muli %scan3A_23, %mul3A_24 : i32
      %swap3A = arith.index_cast %mul3A_25 : i32 to index
      %swap3A_26 = tpu.vector_load %arg9[%swap3A] {strides = array<i32>} : memref<20000xf32, #tpu.memory_space<vmem>>, vector<16xf32>,
      tpu.vector_store %arg9[%swap3A], %broadcast_in_dim3A_11 {strides = array<i32>} : memref<20000xf32, #tpu.memory_space<vmem>>, vector<16xf32>,
    }
    %scan3A_16 = arith.constant 1250 : i32
    %scan3A_17 = arith.constant 0 : i32
    %scan3A_18 = arith.constant 0 : i32
    %scan3A_19 = arith.constant 625 : i32
    %scan3A_20 = arith.addi %scan3A_18, %scan3A_19 : i32
    %scan3A_21 = arith.constant 1 : i32
    scf.for %scan3A_23 = %scan3A_18 to %scan3A_20 step %scan3A_21  : i32 {
      %mul3A_24 = arith.constant 16 : i32
      %mul3A_25 = arith.muli %scan3A_23, %mul3A_24 : i32
      %get3A = arith.index_cast %mul3A_25 : i32 to index
      %get3A_26 = tpu.vector_load %arg7[%get3A] {strides = array<i32>} : memref<10000xi32, #tpu.memory_space<vmem>>, vector<16xi32>,
      %mul3A_27 = arith.constant 2 : i32
      %mul3A_28 = vector.broadcast %mul3A_27 : i32 to vector<16xi32>
      %mul3A_29 = arith.muli %get3A_26, %mul3A_28 : vector<16xi32>
      %mul3A_30 = arith.constant 16 : i32
      %mul3A_31 = arith.muli %scan3A_23, %mul3A_30 : i32
      %get3A_32 = arith.index_cast %mul3A_31 : i32 to index
      %get3A_33 = tpu.vector_load %arg8[%get3A_32] {strides = array<i32>} : memref<10000xi32, #tpu.memory_space<vmem>>, vector<16xi32>,
      %mul3A_34 = arith.constant 2 : i32
      %mul3A_35 = vector.broadcast %mul3A_34 : i32 to vector<16xi32>
      %mul3A_36 = arith.muli %get3A_33, %mul3A_35 : vector<16xi32>
      %gather3A = tpu.vector_load_idx %arg6[%mul3A_29] : memref<20000xf32, #tpu.memory_space<vmem>>[vector<16xi32>], vector<16xf32>,
      %add3A_37 = arith.constant 1 : i32
      %add3A_38 = vector.broadcast %add3A_37 : i32 to vector<16xi32>
      %add3A_39 = arith.addi %mul3A_29, %add3A_38 : vector<16xi32>
      %gather3A_40 = tpu.vector_load_idx %arg6[%add3A_39] : memref<20000xf32, #tpu.memory_space<vmem>>[vector<16xi32>], vector<16xf32>,
      tpu.vector_store_idx %arg9[%mul3A_36], %gather3A {add = true} : memref<20000xf32, #tpu.memory_space<vmem>>[vector<16xi32>], vector<16xf32>,
      %add3A_41 = arith.constant 1 : i32
      %add3A_42 = vector.broadcast %add3A_41 : i32 to vector<16xi32>
      %add3A_43 = arith.addi %mul3A_36, %add3A_42 : vector<16xi32>
      tpu.vector_store_idx %arg9[%add3A_43], %gather3A_40 {add = true} : memref<20000xf32, #tpu.memory_space<vmem>>[vector<16xi32>], vector<16xf32>,
    }
    %scan3A_22 = arith.constant 625 : i32
    "tpu.region"() ({
      %run_scoped3A = tpu.sem_alloc : memref<!tpu.dma_semaphore, #tpu.memory_space<semaphore_mem>>
      %dma_start3A_23 = arith.constant 0 : i32
      %dma_start3A_24 = tpu.memref_slice %arg5[%add3A, %dma_start3A_23] : memref<32x20000xf32, #tpu.memory_space<hbm>> -> memref<1x20000xf32, #tpu.memory_space<hbm>>
      %dma_start3A_25 = tpu.memref_squeeze %dma_start3A_24 : memref<1x20000xf32, #tpu.memory_space<hbm>> -> memref<20000xf32, #tpu.memory_space<hbm>>
      %dma_start3A_26 = arith.constant 0 : i32
      %dma_start3A_27 = tpu.memref_slice %arg5[%add3A, %dma_start3A_26] : memref<32x20000xf32, #tpu.memory_space<hbm>> -> memref<1x20000xf32, #tpu.memory_space<hbm>>
      %dma_start3A_28 = tpu.memref_squeeze %dma_start3A_27 : memref<1x20000xf32, #tpu.memory_space<hbm>> -> memref<20000xf32, #tpu.memory_space<hbm>>
      tpu.enqueue_dma source(%arg9 : memref<20000xf32, #tpu.memory_space<vmem>>) target(%dma_start3A_28 : memref<20000xf32, #tpu.memory_space<hbm>>) target_semaphore(%run_scoped3A : memref<!tpu.dma_semaphore, #tpu.memory_space<semaphore_mem>>)
      %dma_wait3A_29 = arith.constant 0 : i32
      %dma_wait3A_30 = tpu.memref_slice %arg5[%add3A, %dma_wait3A_29] : memref<32x20000xf32, #tpu.memory_space<hbm>> -> memref<1x20000xf32, #tpu.memory_space<hbm>>
      %dma_wait3A_31 = tpu.memref_squeeze %dma_wait3A_30 : memref<1x20000xf32, #tpu.memory_space<hbm>> -> memref<20000xf32, #tpu.memory_space<hbm>>
      %dma_wait3A_32 = arith.constant 0 : i32
      %dma_wait3A_33 = tpu.memref_slice %arg5[%add3A, %dma_wait3A_32] : memref<32x20000xf32, #tpu.memory_space<hbm>> -> memref<1x20000xf32, #tpu.memory_space<hbm>>
      %dma_wait3A_34 = tpu.memref_squeeze %dma_wait3A_33 : memref<1x20000xf32, #tpu.memory_space<hbm>> -> memref<20000xf32, #tpu.memory_space<hbm>>
      tpu.wait_dma2 semaphore(%run_scoped3A : memref<!tpu.dma_semaphore, #tpu.memory_space<semaphore_mem>>) src(%arg9 : memref<20000xf32, #tpu.memory_space<vmem>>) dst(%dma_wait3A_34 : memref<20000xf32, #tpu.memory_space<hbm>>)
      tpu.yield
    }) : () -> ()
    return
  }
}

#map = affine_map<(d0, d1) -> (0, 0)>
#map1 = affine_map<(d0, d1) -> (0, 0, 0)>
module attributes {stable_mosaic.version = 14 : i64} {
  func.func @_agg64_body(%arg0: i32, %arg1: i32, %arg2: memref<10000x64xf32, #tpu.memory_space<hbm>>, %arg3: memref<2500x128xi32, #tpu.memory_space<hbm>>, %arg4: memref<2500x128xi32, #tpu.memory_space<hbm>>, %arg5: memref<625x64xf32, #tpu.memory_space<hbm>>, %arg6: memref<2x10000x64xf32, #tpu.memory_space<hbm>>, %arg7: memref<79x128xi32, #tpu.memory_space<vmem>>, %arg8: memref<79x128xi32, #tpu.memory_space<vmem>>, %arg9: memref<128x64xf32, #tpu.memory_space<vmem>>, %arg10: memref<128x64xf32, #tpu.memory_space<vmem>>, %arg11: memref<10000x64xf32, #tpu.memory_space<vmem_shared>>, %arg12: memref<10000x64xf32, #tpu.memory_space<vmem_shared>>, %arg13: memref<!tpu.dma_semaphore, #tpu.memory_space<semaphore_mem>>, %arg14: memref<!tpu.dma_semaphore, #tpu.memory_space<semaphore_mem>>, %arg15: memref<!tpu.dma_semaphore, #tpu.memory_space<semaphore_mem>>) attributes {dimension_semantics = [#tpu.dimension_semantics<core_parallel>, #tpu.dimension_semantics<subcore_parallel>], iteration_bounds = array<i64: 2, 16>, scalar_prefetch = 0 : i64, scratch_operands = 9 : i64, tpu.core_type = #tpu.core_type<sc_vector_subcore>, window_params = [{transform_indices = #map}, {transform_indices = #map}, {transform_indices = #map}, {transform_indices = #map}, {transform_indices = #map1}]} {
    %mul3A = arith.constant 16 : i32
    %mul3A_0 = arith.muli %arg0, %mul3A : i32
    %add3A = arith.addi %mul3A_0, %arg1 : i32
    %mul3A_1 = arith.constant 78 : i32
    %mul3A_2 = arith.muli %mul3A_1, %add3A : i32
    %min3A = arith.constant 4 : i32
    %min3A_3 = arith.minsi %add3A, %min3A : i32
    %add3A_4 = arith.addi %mul3A_2, %min3A_3 : i32
    %mul3A_5 = arith.constant 625 : i32
    %mul3A_6 = arith.muli %arg1, %mul3A_5 : i32
    %dma_start3A = arith.constant 0 : i32
    %dma_start3A_7 = tpu.memref_slice %arg12[%mul3A_6, %dma_start3A] : memref<10000x64xf32, #tpu.memory_space<vmem_shared>> -> memref<625x64xf32, #tpu.memory_space<vmem_shared>>
    tpu.enqueue_dma source(%arg5 : memref<625x64xf32, #tpu.memory_space<hbm>>) target(%dma_start3A_7 : memref<625x64xf32, #tpu.memory_space<vmem_shared>>) target_semaphore(%arg13 : memref<!tpu.dma_semaphore, #tpu.memory_space<semaphore_mem>>)
    %dma_wait3A = arith.constant 0 : i32
    %dma_wait3A_8 = tpu.memref_slice %arg12[%mul3A_6, %dma_wait3A] : memref<10000x64xf32, #tpu.memory_space<vmem_shared>> -> memref<625x64xf32, #tpu.memory_space<vmem_shared>>
    tpu.wait_dma2 semaphore(%arg13 : memref<!tpu.dma_semaphore, #tpu.memory_space<semaphore_mem>>) src(%arg5 : memref<625x64xf32, #tpu.memory_space<hbm>>) dst(%dma_wait3A_8 : memref<625x64xf32, #tpu.memory_space<vmem_shared>>)
    %mul3A_9 = arith.constant 625 : i32
    %mul3A_10 = arith.muli %arg1, %mul3A_9 : i32
    %mul3A_11 = arith.constant 625 : i32
    %mul3A_12 = arith.muli %arg1, %mul3A_11 : i32
    "tpu.region"() ({
      %run_scoped3A = tpu.sem_alloc : memref<!tpu.dma_semaphore, #tpu.memory_space<semaphore_mem>>
      %dma_start3A_77 = arith.constant 0 : i32
      %dma_start3A_78 = tpu.memref_slice %arg11[%mul3A_12, %dma_start3A_77] : memref<10000x64xf32, #tpu.memory_space<vmem_shared>> -> memref<625x64xf32, #tpu.memory_space<vmem_shared>>
      %dma_start3A_79 = arith.constant 0 : i32
      %dma_start3A_80 = tpu.memref_slice %arg2[%mul3A_10, %dma_start3A_79] : memref<10000x64xf32, #tpu.memory_space<hbm>> -> memref<625x64xf32, #tpu.memory_space<hbm>>
      tpu.enqueue_dma source(%dma_start3A_80 : memref<625x64xf32, #tpu.memory_space<hbm>>) target(%dma_start3A_78 : memref<625x64xf32, #tpu.memory_space<vmem_shared>>) target_semaphore(%run_scoped3A : memref<!tpu.dma_semaphore, #tpu.memory_space<semaphore_mem>>)
      %dma_wait3A_81 = arith.constant 0 : i32
      %dma_wait3A_82 = tpu.memref_slice %arg11[%mul3A_12, %dma_wait3A_81] : memref<10000x64xf32, #tpu.memory_space<vmem_shared>> -> memref<625x64xf32, #tpu.memory_space<vmem_shared>>
      %dma_wait3A_83 = arith.constant 0 : i32
      %dma_wait3A_84 = tpu.memref_slice %arg2[%mul3A_10, %dma_wait3A_83] : memref<10000x64xf32, #tpu.memory_space<hbm>> -> memref<625x64xf32, #tpu.memory_space<hbm>>
      tpu.wait_dma2 semaphore(%run_scoped3A : memref<!tpu.dma_semaphore, #tpu.memory_space<semaphore_mem>>) src(%dma_wait3A_84 : memref<625x64xf32, #tpu.memory_space<hbm>>) dst(%dma_wait3A_82 : memref<625x64xf32, #tpu.memory_space<vmem_shared>>)
      tpu.yield
    }) : () -> ()
    %dma_start3A_13 = arith.constant 0 : i32
    %dma_start3A_14 = arith.constant 0 : i32
    %dma_start3A_15 = tpu.memref_slice %arg7[%dma_start3A_13, %dma_start3A_14] : memref<79x128xi32, #tpu.memory_space<vmem>> -> memref<78x128xi32, #tpu.memory_space<vmem>>
    %dma_start3A_16 = arith.constant 0 : i32
    %dma_start3A_17 = tpu.memref_slice %arg3[%add3A_4, %dma_start3A_16] : memref<2500x128xi32, #tpu.memory_space<hbm>> -> memref<78x128xi32, #tpu.memory_space<hbm>>
    %dma_start3A_18 = arith.constant 0 : i32
    %dma_start3A_19 = arith.constant 0 : i32
    %dma_start3A_20 = tpu.memref_slice %arg7[%dma_start3A_18, %dma_start3A_19] : memref<79x128xi32, #tpu.memory_space<vmem>> -> memref<78x128xi32, #tpu.memory_space<vmem>>
    %dma_start3A_21 = arith.constant 0 : i32
    %dma_start3A_22 = tpu.memref_slice %arg3[%add3A_4, %dma_start3A_21] : memref<2500x128xi32, #tpu.memory_space<hbm>> -> memref<78x128xi32, #tpu.memory_space<hbm>>
    tpu.enqueue_dma source(%dma_start3A_22 : memref<78x128xi32, #tpu.memory_space<hbm>>) target(%dma_start3A_20 : memref<78x128xi32, #tpu.memory_space<vmem>>) target_semaphore(%arg13 : memref<!tpu.dma_semaphore, #tpu.memory_space<semaphore_mem>>)
    %dma_wait3A_23 = arith.constant 0 : i32
    %dma_wait3A_24 = arith.constant 0 : i32
    %dma_wait3A_25 = tpu.memref_slice %arg7[%dma_wait3A_23, %dma_wait3A_24] : memref<79x128xi32, #tpu.memory_space<vmem>> -> memref<78x128xi32, #tpu.memory_space<vmem>>
    %dma_wait3A_26 = arith.constant 0 : i32
    %dma_wait3A_27 = tpu.memref_slice %arg3[%add3A_4, %dma_wait3A_26] : memref<2500x128xi32, #tpu.memory_space<hbm>> -> memref<78x128xi32, #tpu.memory_space<hbm>>
    %dma_wait3A_28 = arith.constant 0 : i32
    %dma_wait3A_29 = arith.constant 0 : i32
    %dma_wait3A_30 = tpu.memref_slice %arg7[%dma_wait3A_28, %dma_wait3A_29] : memref<79x128xi32, #tpu.memory_space<vmem>> -> memref<78x128xi32, #tpu.memory_space<vmem>>
    %dma_wait3A_31 = arith.constant 0 : i32
    %dma_wait3A_32 = tpu.memref_slice %arg3[%add3A_4, %dma_wait3A_31] : memref<2500x128xi32, #tpu.memory_space<hbm>> -> memref<78x128xi32, #tpu.memory_space<hbm>>
    tpu.wait_dma2 semaphore(%arg13 : memref<!tpu.dma_semaphore, #tpu.memory_space<semaphore_mem>>) src(%dma_wait3A_32 : memref<78x128xi32, #tpu.memory_space<hbm>>) dst(%dma_wait3A_30 : memref<78x128xi32, #tpu.memory_space<vmem>>)
    %dma_start3A_33 = arith.constant 0 : i32
    %dma_start3A_34 = arith.constant 0 : i32
    %dma_start3A_35 = tpu.memref_slice %arg8[%dma_start3A_33, %dma_start3A_34] : memref<79x128xi32, #tpu.memory_space<vmem>> -> memref<78x128xi32, #tpu.memory_space<vmem>>
    %dma_start3A_36 = arith.constant 0 : i32
    %dma_start3A_37 = tpu.memref_slice %arg4[%add3A_4, %dma_start3A_36] : memref<2500x128xi32, #tpu.memory_space<hbm>> -> memref<78x128xi32, #tpu.memory_space<hbm>>
    %dma_start3A_38 = arith.constant 0 : i32
    %dma_start3A_39 = arith.constant 0 : i32
    %dma_start3A_40 = tpu.memref_slice %arg8[%dma_start3A_38, %dma_start3A_39] : memref<79x128xi32, #tpu.memory_space<vmem>> -> memref<78x128xi32, #tpu.memory_space<vmem>>
    %dma_start3A_41 = arith.constant 0 : i32
    %dma_start3A_42 = tpu.memref_slice %arg4[%add3A_4, %dma_start3A_41] : memref<2500x128xi32, #tpu.memory_space<hbm>> -> memref<78x128xi32, #tpu.memory_space<hbm>>
    tpu.enqueue_dma source(%dma_start3A_42 : memref<78x128xi32, #tpu.memory_space<hbm>>) target(%dma_start3A_40 : memref<78x128xi32, #tpu.memory_space<vmem>>) target_semaphore(%arg13 : memref<!tpu.dma_semaphore, #tpu.memory_space<semaphore_mem>>)
    %dma_wait3A_43 = arith.constant 0 : i32
    %dma_wait3A_44 = arith.constant 0 : i32
    %dma_wait3A_45 = tpu.memref_slice %arg8[%dma_wait3A_43, %dma_wait3A_44] : memref<79x128xi32, #tpu.memory_space<vmem>> -> memref<78x128xi32, #tpu.memory_space<vmem>>
    %dma_wait3A_46 = arith.constant 0 : i32
    %dma_wait3A_47 = tpu.memref_slice %arg4[%add3A_4, %dma_wait3A_46] : memref<2500x128xi32, #tpu.memory_space<hbm>> -> memref<78x128xi32, #tpu.memory_space<hbm>>
    %dma_wait3A_48 = arith.constant 0 : i32
    %dma_wait3A_49 = arith.constant 0 : i32
    %dma_wait3A_50 = tpu.memref_slice %arg8[%dma_wait3A_48, %dma_wait3A_49] : memref<79x128xi32, #tpu.memory_space<vmem>> -> memref<78x128xi32, #tpu.memory_space<vmem>>
    %dma_wait3A_51 = arith.constant 0 : i32
    %dma_wait3A_52 = tpu.memref_slice %arg4[%add3A_4, %dma_wait3A_51] : memref<2500x128xi32, #tpu.memory_space<hbm>> -> memref<78x128xi32, #tpu.memory_space<hbm>>
    tpu.wait_dma2 semaphore(%arg13 : memref<!tpu.dma_semaphore, #tpu.memory_space<semaphore_mem>>) src(%dma_wait3A_52 : memref<78x128xi32, #tpu.memory_space<hbm>>) dst(%dma_wait3A_50 : memref<78x128xi32, #tpu.memory_space<vmem>>)
    %lt3A = arith.constant 4 : i32
    %lt3A_53 = arith.cmpi slt, %add3A, %lt3A : i32
    %convert_element_type3A = arith.extui %lt3A_53 : i1 to i32
    %cond3A = arith.constant 0 : i32
    %cond3A_54 = arith.cmpi ne, %convert_element_type3A, %cond3A : i32
    scf.if %cond3A_54 {
      %add3A_77 = arith.constant 78 : i32
      %add3A_78 = arith.addi %add3A_4, %add3A_77 : i32
      %dma_start3A_79 = arith.constant 78 : i32
      %dma_start3A_80 = arith.constant 0 : i32
      %dma_start3A_81 = tpu.memref_slice %arg7[%dma_start3A_79, %dma_start3A_80] : memref<79x128xi32, #tpu.memory_space<vmem>> -> memref<1x128xi32, #tpu.memory_space<vmem>>
      %dma_start3A_82 = arith.constant 0 : i32
      %dma_start3A_83 = tpu.memref_slice %arg3[%add3A_78, %dma_start3A_82] : memref<2500x128xi32, #tpu.memory_space<hbm>> -> memref<1x128xi32, #tpu.memory_space<hbm>>
      %dma_start3A_84 = arith.constant 78 : i32
      %dma_start3A_85 = arith.constant 0 : i32
      %dma_start3A_86 = tpu.memref_slice %arg7[%dma_start3A_84, %dma_start3A_85] : memref<79x128xi32, #tpu.memory_space<vmem>> -> memref<1x128xi32, #tpu.memory_space<vmem>>
      %dma_start3A_87 = arith.constant 0 : i32
      %dma_start3A_88 = tpu.memref_slice %arg3[%add3A_78, %dma_start3A_87] : memref<2500x128xi32, #tpu.memory_space<hbm>> -> memref<1x128xi32, #tpu.memory_space<hbm>>
      tpu.enqueue_dma source(%dma_start3A_88 : memref<1x128xi32, #tpu.memory_space<hbm>>) target(%dma_start3A_86 : memref<1x128xi32, #tpu.memory_space<vmem>>) target_semaphore(%arg13 : memref<!tpu.dma_semaphore, #tpu.memory_space<semaphore_mem>>)
      %dma_wait3A_89 = arith.constant 78 : i32
      %dma_wait3A_90 = arith.constant 0 : i32
      %dma_wait3A_91 = tpu.memref_slice %arg7[%dma_wait3A_89, %dma_wait3A_90] : memref<79x128xi32, #tpu.memory_space<vmem>> -> memref<1x128xi32, #tpu.memory_space<vmem>>
      %dma_wait3A_92 = arith.constant 0 : i32
      %dma_wait3A_93 = tpu.memref_slice %arg3[%add3A_78, %dma_wait3A_92] : memref<2500x128xi32, #tpu.memory_space<hbm>> -> memref<1x128xi32, #tpu.memory_space<hbm>>
      %dma_wait3A_94 = arith.constant 78 : i32
      %dma_wait3A_95 = arith.constant 0 : i32
      %dma_wait3A_96 = tpu.memref_slice %arg7[%dma_wait3A_94, %dma_wait3A_95] : memref<79x128xi32, #tpu.memory_space<vmem>> -> memref<1x128xi32, #tpu.memory_space<vmem>>
      %dma_wait3A_97 = arith.constant 0 : i32
      %dma_wait3A_98 = tpu.memref_slice %arg3[%add3A_78, %dma_wait3A_97] : memref<2500x128xi32, #tpu.memory_space<hbm>> -> memref<1x128xi32, #tpu.memory_space<hbm>>
      tpu.wait_dma2 semaphore(%arg13 : memref<!tpu.dma_semaphore, #tpu.memory_space<semaphore_mem>>) src(%dma_wait3A_98 : memref<1x128xi32, #tpu.memory_space<hbm>>) dst(%dma_wait3A_96 : memref<1x128xi32, #tpu.memory_space<vmem>>)
      %add3A_99 = arith.constant 78 : i32
      %add3A_100 = arith.addi %add3A_4, %add3A_99 : i32
      %dma_start3A_101 = arith.constant 78 : i32
      %dma_start3A_102 = arith.constant 0 : i32
      %dma_start3A_103 = tpu.memref_slice %arg8[%dma_start3A_101, %dma_start3A_102] : memref<79x128xi32, #tpu.memory_space<vmem>> -> memref<1x128xi32, #tpu.memory_space<vmem>>
      %dma_start3A_104 = arith.constant 0 : i32
      %dma_start3A_105 = tpu.memref_slice %arg4[%add3A_100, %dma_start3A_104] : memref<2500x128xi32, #tpu.memory_space<hbm>> -> memref<1x128xi32, #tpu.memory_space<hbm>>
      %dma_start3A_106 = arith.constant 78 : i32
      %dma_start3A_107 = arith.constant 0 : i32
      %dma_start3A_108 = tpu.memref_slice %arg8[%dma_start3A_106, %dma_start3A_107] : memref<79x128xi32, #tpu.memory_space<vmem>> -> memref<1x128xi32, #tpu.memory_space<vmem>>
      %dma_start3A_109 = arith.constant 0 : i32
      %dma_start3A_110 = tpu.memref_slice %arg4[%add3A_100, %dma_start3A_109] : memref<2500x128xi32, #tpu.memory_space<hbm>> -> memref<1x128xi32, #tpu.memory_space<hbm>>
      tpu.enqueue_dma source(%dma_start3A_110 : memref<1x128xi32, #tpu.memory_space<hbm>>) target(%dma_start3A_108 : memref<1x128xi32, #tpu.memory_space<vmem>>) target_semaphore(%arg13 : memref<!tpu.dma_semaphore, #tpu.memory_space<semaphore_mem>>)
      %dma_wait3A_111 = arith.constant 78 : i32
      %dma_wait3A_112 = arith.constant 0 : i32
      %dma_wait3A_113 = tpu.memref_slice %arg8[%dma_wait3A_111, %dma_wait3A_112] : memref<79x128xi32, #tpu.memory_space<vmem>> -> memref<1x128xi32, #tpu.memory_space<vmem>>
      %dma_wait3A_114 = arith.constant 0 : i32
      %dma_wait3A_115 = tpu.memref_slice %arg4[%add3A_100, %dma_wait3A_114] : memref<2500x128xi32, #tpu.memory_space<hbm>> -> memref<1x128xi32, #tpu.memory_space<hbm>>
      %dma_wait3A_116 = arith.constant 78 : i32
      %dma_wait3A_117 = arith.constant 0 : i32
      %dma_wait3A_118 = tpu.memref_slice %arg8[%dma_wait3A_116, %dma_wait3A_117] : memref<79x128xi32, #tpu.memory_space<vmem>> -> memref<1x128xi32, #tpu.memory_space<vmem>>
      %dma_wait3A_119 = arith.constant 0 : i32
      %dma_wait3A_120 = tpu.memref_slice %arg4[%add3A_100, %dma_wait3A_119] : memref<2500x128xi32, #tpu.memory_space<hbm>> -> memref<1x128xi32, #tpu.memory_space<hbm>>
      tpu.wait_dma2 semaphore(%arg13 : memref<!tpu.dma_semaphore, #tpu.memory_space<semaphore_mem>>) src(%dma_wait3A_120 : memref<1x128xi32, #tpu.memory_space<hbm>>) dst(%dma_wait3A_118 : memref<1x128xi32, #tpu.memory_space<vmem>>)
    } else {
    }
    %barrier3A = arith.constant 0 : index
    tpu.barrier barrier_id(%barrier3A)
    %dma_start3A_55 = arith.constant 0 : i32
    %dma_start3A_56 = arith.constant 0 : i32
    %dma_start3A_57 = tpu.memref_slice %arg7[%dma_start3A_55, %dma_start3A_56] : memref<79x128xi32, #tpu.memory_space<vmem>> -> memref<1x128xi32, #tpu.memory_space<vmem>>
    %dma_start3A_58 = tpu.memref_squeeze %dma_start3A_57 : memref<1x128xi32, #tpu.memory_space<vmem>> -> memref<128xi32, #tpu.memory_space<vmem>>
    %dma_start3A_59 = arith.constant 0 : i32
    %dma_start3A_60 = arith.constant 0 : i32
    %dma_start3A_61 = tpu.memref_slice %arg11[%dma_start3A_59, %dma_start3A_60] : memref<10000x64xf32, #tpu.memory_space<vmem_shared>> -> memref<10000x64xf32, #tpu.memory_space<vmem_shared>>
    tpu.enqueue_indirect_dma source(%dma_start3A_61 : memref<10000x64xf32, #tpu.memory_space<vmem_shared>>) target(%arg9 : memref<128x64xf32, #tpu.memory_space<vmem>>) offsets(%dma_start3A_58 : memref<128xi32, #tpu.memory_space<vmem>>) semaphore(%arg14 : memref<!tpu.dma_semaphore, #tpu.memory_space<semaphore_mem>>)
    %scan3A = arith.constant 0 : i32
    %scan3A_62 = arith.constant 0 : i32
    %scan3A_63 = arith.constant 39 : i32
    %scan3A_64 = arith.addi %scan3A_62, %scan3A_63 : i32
    %scan3A_65 = arith.constant 1 : i32
    scf.for %scan3A_77 = %scan3A_62 to %scan3A_64 step %scan3A_65  : i32 {
      %mul3A_78 = arith.constant 2 : i32
      %mul3A_79 = arith.muli %mul3A_78, %scan3A_77 : i32
      %dma_wait3A_80 = arith.constant 0 : i32
      %dma_wait3A_81 = tpu.memref_slice %arg7[%mul3A_79, %dma_wait3A_80] : memref<79x128xi32, #tpu.memory_space<vmem>> -> memref<1x128xi32, #tpu.memory_space<vmem>>
      %dma_wait3A_82 = tpu.memref_squeeze %dma_wait3A_81 : memref<1x128xi32, #tpu.memory_space<vmem>> -> memref<128xi32, #tpu.memory_space<vmem>>
      %dma_wait3A_83 = arith.constant 0 : i32
      %dma_wait3A_84 = arith.constant 0 : i32
      %dma_wait3A_85 = tpu.memref_slice %arg11[%dma_wait3A_83, %dma_wait3A_84] : memref<10000x64xf32, #tpu.memory_space<vmem_shared>> -> memref<10000x64xf32, #tpu.memory_space<vmem_shared>>
      tpu.wait_indirect_dma semaphore(%arg14 : memref<!tpu.dma_semaphore, #tpu.memory_space<semaphore_mem>>) src(%dma_wait3A_85 : memref<10000x64xf32, #tpu.memory_space<vmem_shared>>) dst(%arg9 : memref<128x64xf32, #tpu.memory_space<vmem>>)
      %add3A_86 = arith.constant 1 : i32
      %add3A_87 = arith.addi %mul3A_79, %add3A_86 : i32
      %dma_start3A_88 = arith.constant 0 : i32
      %dma_start3A_89 = tpu.memref_slice %arg7[%add3A_87, %dma_start3A_88] : memref<79x128xi32, #tpu.memory_space<vmem>> -> memref<1x128xi32, #tpu.memory_space<vmem>>
      %dma_start3A_90 = tpu.memref_squeeze %dma_start3A_89 : memref<1x128xi32, #tpu.memory_space<vmem>> -> memref<128xi32, #tpu.memory_space<vmem>>
      %dma_start3A_91 = arith.constant 0 : i32
      %dma_start3A_92 = arith.constant 0 : i32
      %dma_start3A_93 = tpu.memref_slice %arg11[%dma_start3A_91, %dma_start3A_92] : memref<10000x64xf32, #tpu.memory_space<vmem_shared>> -> memref<10000x64xf32, #tpu.memory_space<vmem_shared>>
      tpu.enqueue_indirect_dma source(%dma_start3A_93 : memref<10000x64xf32, #tpu.memory_space<vmem_shared>>) target(%arg10 : memref<128x64xf32, #tpu.memory_space<vmem>>) offsets(%dma_start3A_90 : memref<128xi32, #tpu.memory_space<vmem>>) semaphore(%arg15 : memref<!tpu.dma_semaphore, #tpu.memory_space<semaphore_mem>>)
      "tpu.region"() ({
        %run_scoped3A = tpu.sem_alloc : memref<!tpu.dma_semaphore, #tpu.memory_space<semaphore_mem>>
        %dma_start3A_109 = arith.constant 0 : i32
        %dma_start3A_110 = tpu.memref_slice %arg8[%mul3A_79, %dma_start3A_109] : memref<79x128xi32, #tpu.memory_space<vmem>> -> memref<1x128xi32, #tpu.memory_space<vmem>>
        %dma_start3A_111 = tpu.memref_squeeze %dma_start3A_110 : memref<1x128xi32, #tpu.memory_space<vmem>> -> memref<128xi32, #tpu.memory_space<vmem>>
        %dma_start3A_112 = arith.constant 0 : i32
        %dma_start3A_113 = arith.constant 0 : i32
        %dma_start3A_114 = tpu.memref_slice %arg12[%dma_start3A_112, %dma_start3A_113] : memref<10000x64xf32, #tpu.memory_space<vmem_shared>> -> memref<10000x64xf32, #tpu.memory_space<vmem_shared>>
        tpu.enqueue_indirect_dma source(%arg9 : memref<128x64xf32, #tpu.memory_space<vmem>>) target(%dma_start3A_114 : memref<10000x64xf32, #tpu.memory_space<vmem_shared>>) offsets(%dma_start3A_111 : memref<128xi32, #tpu.memory_space<vmem>>) semaphore(%run_scoped3A : memref<!tpu.dma_semaphore, #tpu.memory_space<semaphore_mem>>) {add = true}
        %dma_wait3A_115 = arith.constant 0 : i32
        %dma_wait3A_116 = tpu.memref_slice %arg8[%mul3A_79, %dma_wait3A_115] : memref<79x128xi32, #tpu.memory_space<vmem>> -> memref<1x128xi32, #tpu.memory_space<vmem>>
        %dma_wait3A_117 = tpu.memref_squeeze %dma_wait3A_116 : memref<1x128xi32, #tpu.memory_space<vmem>> -> memref<128xi32, #tpu.memory_space<vmem>>
        %dma_wait3A_118 = arith.constant 0 : i32
        %dma_wait3A_119 = arith.constant 0 : i32
        %dma_wait3A_120 = tpu.memref_slice %arg12[%dma_wait3A_118, %dma_wait3A_119] : memref<10000x64xf32, #tpu.memory_space<vmem_shared>> -> memref<10000x64xf32, #tpu.memory_space<vmem_shared>>
        tpu.wait_indirect_dma semaphore(%run_scoped3A : memref<!tpu.dma_semaphore, #tpu.memory_space<semaphore_mem>>) src(%arg9 : memref<128x64xf32, #tpu.memory_space<vmem>>) dst(%dma_wait3A_120 : memref<10000x64xf32, #tpu.memory_space<vmem_shared>>)
        tpu.yield
      }) : () -> ()
      %add3A_94 = arith.constant 1 : i32
      %add3A_95 = arith.addi %mul3A_79, %add3A_94 : i32
      %dma_wait3A_96 = arith.constant 0 : i32
      %dma_wait3A_97 = tpu.memref_slice %arg7[%add3A_95, %dma_wait3A_96] : memref<79x128xi32, #tpu.memory_space<vmem>> -> memref<1x128xi32, #tpu.memory_space<vmem>>
      %dma_wait3A_98 = tpu.memref_squeeze %dma_wait3A_97 : memref<1x128xi32, #tpu.memory_space<vmem>> -> memref<128xi32, #tpu.memory_space<vmem>>
      %dma_wait3A_99 = arith.constant 0 : i32
      %dma_wait3A_100 = arith.constant 0 : i32
      %dma_wait3A_101 = tpu.memref_slice %arg11[%dma_wait3A_99, %dma_wait3A_100] : memref<10000x64xf32, #tpu.memory_space<vmem_shared>> -> memref<10000x64xf32, #tpu.memory_space<vmem_shared>>
      tpu.wait_indirect_dma semaphore(%arg15 : memref<!tpu.dma_semaphore, #tpu.memory_space<semaphore_mem>>) src(%dma_wait3A_101 : memref<10000x64xf32, #tpu.memory_space<vmem_shared>>) dst(%arg10 : memref<128x64xf32, #tpu.memory_space<vmem>>)
      %lt3A_102 = arith.constant 38 : i32
      %lt3A_103 = arith.cmpi slt, %scan3A_77, %lt3A_102 : i32
      %convert_element_type3A_104 = arith.extui %lt3A_103 : i1 to i32
      %cond3A_105 = arith.constant 0 : i32
      %cond3A_106 = arith.cmpi ne, %convert_element_type3A_104, %cond3A_105 : i32
      scf.if %cond3A_106 {
        %add3A_109 = arith.constant 2 : i32
        %add3A_110 = arith.addi %mul3A_79, %add3A_109 : i32
        %dma_start3A_111 = arith.constant 0 : i32
        %dma_start3A_112 = tpu.memref_slice %arg7[%add3A_110, %dma_start3A_111] : memref<79x128xi32, #tpu.memory_space<vmem>> -> memref<1x128xi32, #tpu.memory_space<vmem>>
        %dma_start3A_113 = tpu.memref_squeeze %dma_start3A_112 : memref<1x128xi32, #tpu.memory_space<vmem>> -> memref<128xi32, #tpu.memory_space<vmem>>
        %dma_start3A_114 = arith.constant 0 : i32
        %dma_start3A_115 = arith.constant 0 : i32
        %dma_start3A_116 = tpu.memref_slice %arg11[%dma_start3A_114, %dma_start3A_115] : memref<10000x64xf32, #tpu.memory_space<vmem_shared>> -> memref<10000x64xf32, #tpu.memory_space<vmem_shared>>
        tpu.enqueue_indirect_dma source(%dma_start3A_116 : memref<10000x64xf32, #tpu.memory_space<vmem_shared>>) target(%arg9 : memref<128x64xf32, #tpu.memory_space<vmem>>) offsets(%dma_start3A_113 : memref<128xi32, #tpu.memory_space<vmem>>) semaphore(%arg14 : memref<!tpu.dma_semaphore, #tpu.memory_space<semaphore_mem>>)
      } else {
      }
      %add3A_107 = arith.constant 1 : i32
      %add3A_108 = arith.addi %mul3A_79, %add3A_107 : i32
      "tpu.region"() ({
        %run_scoped3A = tpu.sem_alloc : memref<!tpu.dma_semaphore, #tpu.memory_space<semaphore_mem>>
        %dma_start3A_109 = arith.constant 0 : i32
        %dma_start3A_110 = tpu.memref_slice %arg8[%add3A_108, %dma_start3A_109] : memref<79x128xi32, #tpu.memory_space<vmem>> -> memref<1x128xi32, #tpu.memory_space<vmem>>
        %dma_start3A_111 = tpu.memref_squeeze %dma_start3A_110 : memref<1x128xi32, #tpu.memory_space<vmem>> -> memref<128xi32, #tpu.memory_space<vmem>>
        %dma_start3A_112 = arith.constant 0 : i32
        %dma_start3A_113 = arith.constant 0 : i32
        %dma_start3A_114 = tpu.memref_slice %arg12[%dma_start3A_112, %dma_start3A_113] : memref<10000x64xf32, #tpu.memory_space<vmem_shared>> -> memref<10000x64xf32, #tpu.memory_space<vmem_shared>>
        tpu.enqueue_indirect_dma source(%arg10 : memref<128x64xf32, #tpu.memory_space<vmem>>) target(%dma_start3A_114 : memref<10000x64xf32, #tpu.memory_space<vmem_shared>>) offsets(%dma_start3A_111 : memref<128xi32, #tpu.memory_space<vmem>>) semaphore(%run_scoped3A : memref<!tpu.dma_semaphore, #tpu.memory_space<semaphore_mem>>) {add = true}
        %dma_wait3A_115 = arith.constant 0 : i32
        %dma_wait3A_116 = tpu.memref_slice %arg8[%add3A_108, %dma_wait3A_115] : memref<79x128xi32, #tpu.memory_space<vmem>> -> memref<1x128xi32, #tpu.memory_space<vmem>>
        %dma_wait3A_117 = tpu.memref_squeeze %dma_wait3A_116 : memref<1x128xi32, #tpu.memory_space<vmem>> -> memref<128xi32, #tpu.memory_space<vmem>>
        %dma_wait3A_118 = arith.constant 0 : i32
        %dma_wait3A_119 = arith.constant 0 : i32
        %dma_wait3A_120 = tpu.memref_slice %arg12[%dma_wait3A_118, %dma_wait3A_119] : memref<10000x64xf32, #tpu.memory_space<vmem_shared>> -> memref<10000x64xf32, #tpu.memory_space<vmem_shared>>
        tpu.wait_indirect_dma semaphore(%run_scoped3A : memref<!tpu.dma_semaphore, #tpu.memory_space<semaphore_mem>>) src(%arg10 : memref<128x64xf32, #tpu.memory_space<vmem>>) dst(%dma_wait3A_120 : memref<10000x64xf32, #tpu.memory_space<vmem_shared>>)
        tpu.yield
      }) : () -> ()
    }
    %scan3A_66 = arith.constant 39 : i32
    %lt3A_67 = arith.constant 4 : i32
    %lt3A_68 = arith.cmpi slt, %add3A, %lt3A_67 : i32
    %convert_element_type3A_69 = arith.extui %lt3A_68 : i1 to i32
    %cond3A_70 = arith.constant 0 : i32
    %cond3A_71 = arith.cmpi ne, %convert_element_type3A_69, %cond3A_70 : i32
    scf.if %cond3A_71 {
      %dma_start3A_77 = arith.constant 78 : i32
      %dma_start3A_78 = arith.constant 0 : i32
      %dma_start3A_79 = tpu.memref_slice %arg7[%dma_start3A_77, %dma_start3A_78] : memref<79x128xi32, #tpu.memory_space<vmem>> -> memref<1x128xi32, #tpu.memory_space<vmem>>
      %dma_start3A_80 = tpu.memref_squeeze %dma_start3A_79 : memref<1x128xi32, #tpu.memory_space<vmem>> -> memref<128xi32, #tpu.memory_space<vmem>>
      %dma_start3A_81 = arith.constant 0 : i32
      %dma_start3A_82 = arith.constant 0 : i32
      %dma_start3A_83 = tpu.memref_slice %arg11[%dma_start3A_81, %dma_start3A_82] : memref<10000x64xf32, #tpu.memory_space<vmem_shared>> -> memref<10000x64xf32, #tpu.memory_space<vmem_shared>>
      tpu.enqueue_indirect_dma source(%dma_start3A_83 : memref<10000x64xf32, #tpu.memory_space<vmem_shared>>) target(%arg9 : memref<128x64xf32, #tpu.memory_space<vmem>>) offsets(%dma_start3A_80 : memref<128xi32, #tpu.memory_space<vmem>>) semaphore(%arg14 : memref<!tpu.dma_semaphore, #tpu.memory_space<semaphore_mem>>)
      %dma_wait3A_84 = arith.constant 78 : i32
      %dma_wait3A_85 = arith.constant 0 : i32
      %dma_wait3A_86 = tpu.memref_slice %arg7[%dma_wait3A_84, %dma_wait3A_85] : memref<79x128xi32, #tpu.memory_space<vmem>> -> memref<1x128xi32, #tpu.memory_space<vmem>>
      %dma_wait3A_87 = tpu.memref_squeeze %dma_wait3A_86 : memref<1x128xi32, #tpu.memory_space<vmem>> -> memref<128xi32, #tpu.memory_space<vmem>>
      %dma_wait3A_88 = arith.constant 0 : i32
      %dma_wait3A_89 = arith.constant 0 : i32
      %dma_wait3A_90 = tpu.memref_slice %arg11[%dma_wait3A_88, %dma_wait3A_89] : memref<10000x64xf32, #tpu.memory_space<vmem_shared>> -> memref<10000x64xf32, #tpu.memory_space<vmem_shared>>
      tpu.wait_indirect_dma semaphore(%arg14 : memref<!tpu.dma_semaphore, #tpu.memory_space<semaphore_mem>>) src(%dma_wait3A_90 : memref<10000x64xf32, #tpu.memory_space<vmem_shared>>) dst(%arg9 : memref<128x64xf32, #tpu.memory_space<vmem>>)
      %run_scoped3A = arith.constant 78 : i32
      "tpu.region"() ({
        %run_scoped3A_91 = tpu.sem_alloc : memref<!tpu.dma_semaphore, #tpu.memory_space<semaphore_mem>>
        %dma_start3A_92 = arith.constant 0 : i32
        %dma_start3A_93 = tpu.memref_slice %arg8[%run_scoped3A, %dma_start3A_92] : memref<79x128xi32, #tpu.memory_space<vmem>> -> memref<1x128xi32, #tpu.memory_space<vmem>>
        %dma_start3A_94 = tpu.memref_squeeze %dma_start3A_93 : memref<1x128xi32, #tpu.memory_space<vmem>> -> memref<128xi32, #tpu.memory_space<vmem>>
        %dma_start3A_95 = arith.constant 0 : i32
        %dma_start3A_96 = arith.constant 0 : i32
        %dma_start3A_97 = tpu.memref_slice %arg12[%dma_start3A_95, %dma_start3A_96] : memref<10000x64xf32, #tpu.memory_space<vmem_shared>> -> memref<10000x64xf32, #tpu.memory_space<vmem_shared>>
        tpu.enqueue_indirect_dma source(%arg9 : memref<128x64xf32, #tpu.memory_space<vmem>>) target(%dma_start3A_97 : memref<10000x64xf32, #tpu.memory_space<vmem_shared>>) offsets(%dma_start3A_94 : memref<128xi32, #tpu.memory_space<vmem>>) semaphore(%run_scoped3A_91 : memref<!tpu.dma_semaphore, #tpu.memory_space<semaphore_mem>>) {add = true}
        %dma_wait3A_98 = arith.constant 0 : i32
        %dma_wait3A_99 = tpu.memref_slice %arg8[%run_scoped3A, %dma_wait3A_98] : memref<79x128xi32, #tpu.memory_space<vmem>> -> memref<1x128xi32, #tpu.memory_space<vmem>>
        %dma_wait3A_100 = tpu.memref_squeeze %dma_wait3A_99 : memref<1x128xi32, #tpu.memory_space<vmem>> -> memref<128xi32, #tpu.memory_space<vmem>>
        %dma_wait3A_101 = arith.constant 0 : i32
        %dma_wait3A_102 = arith.constant 0 : i32
        %dma_wait3A_103 = tpu.memref_slice %arg12[%dma_wait3A_101, %dma_wait3A_102] : memref<10000x64xf32, #tpu.memory_space<vmem_shared>> -> memref<10000x64xf32, #tpu.memory_space<vmem_shared>>
        tpu.wait_indirect_dma semaphore(%run_scoped3A_91 : memref<!tpu.dma_semaphore, #tpu.memory_space<semaphore_mem>>) src(%arg9 : memref<128x64xf32, #tpu.memory_space<vmem>>) dst(%dma_wait3A_103 : memref<10000x64xf32, #tpu.memory_space<vmem_shared>>)
        tpu.yield
      }) : () -> ()
    } else {
    }
    %barrier3A_72 = arith.constant 0 : index
    tpu.barrier barrier_id(%barrier3A_72)
    %mul3A_73 = arith.constant 625 : i32
    %mul3A_74 = arith.muli %arg1, %mul3A_73 : i32
    %mul3A_75 = arith.constant 625 : i32
    %mul3A_76 = arith.muli %arg1, %mul3A_75 : i32
    "tpu.region"() ({
      %run_scoped3A = tpu.sem_alloc : memref<!tpu.dma_semaphore, #tpu.memory_space<semaphore_mem>>
      %dma_start3A_77 = arith.constant 0 : i32
      %dma_start3A_78 = tpu.memref_slice %arg6[%arg0, %mul3A_76, %dma_start3A_77] : memref<2x10000x64xf32, #tpu.memory_space<hbm>> -> memref<1x625x64xf32, #tpu.memory_space<hbm>>
      %dma_start3A_79 = tpu.memref_squeeze %dma_start3A_78 : memref<1x625x64xf32, #tpu.memory_space<hbm>> -> memref<625x64xf32, #tpu.memory_space<hbm>>
      %dma_start3A_80 = arith.constant 0 : i32
      %dma_start3A_81 = tpu.memref_slice %arg12[%mul3A_74, %dma_start3A_80] : memref<10000x64xf32, #tpu.memory_space<vmem_shared>> -> memref<625x64xf32, #tpu.memory_space<vmem_shared>>
      tpu.enqueue_dma source(%dma_start3A_81 : memref<625x64xf32, #tpu.memory_space<vmem_shared>>) target(%dma_start3A_79 : memref<625x64xf32, #tpu.memory_space<hbm>>) target_semaphore(%run_scoped3A : memref<!tpu.dma_semaphore, #tpu.memory_space<semaphore_mem>>)
      %dma_wait3A_82 = arith.constant 0 : i32
      %dma_wait3A_83 = tpu.memref_slice %arg6[%arg0, %mul3A_76, %dma_wait3A_82] : memref<2x10000x64xf32, #tpu.memory_space<hbm>> -> memref<1x625x64xf32, #tpu.memory_space<hbm>>
      %dma_wait3A_84 = tpu.memref_squeeze %dma_wait3A_83 : memref<1x625x64xf32, #tpu.memory_space<hbm>> -> memref<625x64xf32, #tpu.memory_space<hbm>>
      %dma_wait3A_85 = arith.constant 0 : i32
      %dma_wait3A_86 = tpu.memref_slice %arg12[%mul3A_74, %dma_wait3A_85] : memref<10000x64xf32, #tpu.memory_space<vmem_shared>> -> memref<625x64xf32, #tpu.memory_space<vmem_shared>>
      tpu.wait_dma2 semaphore(%run_scoped3A : memref<!tpu.dma_semaphore, #tpu.memory_space<semaphore_mem>>) src(%dma_wait3A_86 : memref<625x64xf32, #tpu.memory_space<vmem_shared>>) dst(%dma_wait3A_84 : memref<625x64xf32, #tpu.memory_space<hbm>>)
      tpu.yield
    }) : () -> ()
    return
  }
}

module attributes {stable_mosaic.version = 14 : i64} {
  func.func @_tc1_body(%arg0: i32, %arg1: memref<1000x128xf32, #tpu.memory_space<vmem>>, %arg2: memref<128x64xf32, #tpu.memory_space<vmem>>, %arg3: memref<1000x32xf32, #tpu.memory_space<vmem>>, %arg4: memref<1000x64xf32, #tpu.memory_space<vmem>>, %arg5: memref<1000x1xf32, #tpu.memory_space<vmem>>) attributes {dimension_semantics = [#tpu.dimension_semantics<arbitrary>], iteration_bounds = array<i64: 10>, scalar_prefetch = 0 : i64, scratch_operands = 0 : i64, tpu.core_type = #tpu.core_type<tc>, window_params = [{transform_indices = @transform_0, window_bounds = array<i64: 1000, 128>}, {pipeline_mode = #tpu.pipeline_mode<synchronous>, transform_indices = @transform_1, window_bounds = array<i64: 128, 64>}, {transform_indices = @transform_2, window_bounds = array<i64: 1000, 32>}, {transform_indices = @transform_3, window_bounds = array<i64: 1000, 64>}, {transform_indices = @transform_4, window_bounds = array<i64: 1000, 1>}]} {
    %get3A = arith.constant 0 : index
    %get3A_0 = arith.constant 0 : index
    %get3A_1 = vector.load %arg3[%get3A, %get3A_0] : memref<1000x32xf32, #tpu.memory_space<vmem>>, vector<1000x32xf32>
    %reduce_sum3A = arith.constant dense<0.000000e+00> : vector<1000xf32>
    %reduce_sum3A_2 = vector.multi_reduction <add>, %get3A_1, %reduce_sum3A [1] : vector<1000x32xf32> to vector<1000xf32>
    %broadcast_in_dim3A = vector.shape_cast %reduce_sum3A_2 : vector<1000xf32> to vector<1000x1xf32>
    %add3A = arith.constant 1.000000e+00 : f32
    %add3A_3 = vector.broadcast %add3A : f32 to vector<1000x1xf32>
    %add3A_4 = arith.addf %broadcast_in_dim3A, %add3A_3 : vector<1000x1xf32>
    %rsqrt3A = math.rsqrt %add3A_4 : vector<1000x1xf32>
    %get3A_5 = arith.constant 0 : index
    %get3A_6 = arith.constant 0 : index
    %get3A_7 = vector.load %arg1[%get3A_5, %get3A_6] : memref<1000x128xf32, #tpu.memory_space<vmem>>, vector<1000x128xf32>
    %get3A_8 = arith.constant 0 : index
    %get3A_9 = arith.constant 0 : index
    %get3A_10 = vector.load %arg2[%get3A_8, %get3A_9] : memref<128x64xf32, #tpu.memory_space<vmem>>, vector<128x64xf32>
    %dot_general3A = arith.constant dense<0.000000e+00> : vector<1000x64xf32>
    %dot_general3A_11 = tpu.matmul %get3A_7, %get3A_10, %dot_general3A {dimension_numbers = #tpu.dot_dimension_numbers<[1], [0], [0], [1], [0, 0, 1, 1], [], []>, transpose_lhs_hint = false} : vector<1000x128xf32>, vector<128x64xf32>, vector<1000x64xf32> -> vector<1000x64xf32>
    %mul3A = vector.broadcast %rsqrt3A : vector<1000x1xf32> to vector<1000x64xf32>
    %mul3A_12 = arith.mulf %dot_general3A_11, %mul3A : vector<1000x64xf32>
    %swap3A = arith.constant 0 : index
    %swap3A_13 = arith.constant 0 : index
    %swap3A_14 = vector.load %arg4[%swap3A, %swap3A_13] : memref<1000x64xf32, #tpu.memory_space<vmem>>, vector<1000x64xf32>
    tpu.vector_store %arg4[%swap3A, %swap3A_13], %mul3A_12 {strides = array<i32>} : memref<1000x64xf32, #tpu.memory_space<vmem>>, vector<1000x64xf32>,
    %swap3A_15 = arith.constant 0 : index
    %swap3A_16 = arith.constant 0 : index
    %swap3A_17 = vector.load %arg5[%swap3A_15, %swap3A_16] : memref<1000x1xf32, #tpu.memory_space<vmem>>, vector<1000x1xf32>
    tpu.vector_store %arg5[%swap3A_15, %swap3A_16], %rsqrt3A {strides = array<i32>} : memref<1000x1xf32, #tpu.memory_space<vmem>>, vector<1000x1xf32>,
    return
  }
  func.func @transform_0(%arg0: i32) -> (i32, i32) {
    %c0_i32 = arith.constant 0 : i32
    %c0_i32_0 = arith.constant 0 : i32
    return %arg0, %c0_i32 : i32, i32
  }
  func.func @transform_1(%arg0: i32) -> (i32, i32) {
    %c0_i32 = arith.constant 0 : i32
    %c0_i32_0 = arith.constant 0 : i32
    %c0_i32_1 = arith.constant 0 : i32
    return %c0_i32, %c0_i32_0 : i32, i32
  }
  func.func @transform_2(%arg0: i32) -> (i32, i32) {
    %c0_i32 = arith.constant 0 : i32
    %c0_i32_0 = arith.constant 0 : i32
    return %arg0, %c0_i32 : i32, i32
  }
  func.func @transform_3(%arg0: i32) -> (i32, i32) {
    %c0_i32 = arith.constant 0 : i32
    %c0_i32_0 = arith.constant 0 : i32
    return %arg0, %c0_i32 : i32, i32
  }
  func.func @transform_4(%arg0: i32) -> (i32, i32) {
    %c0_i32 = arith.constant 0 : i32
    %c0_i32_0 = arith.constant 0 : i32
    return %arg0, %c0_i32 : i32, i32
  }
}

module attributes {stable_mosaic.version = 14 : i64} {
  func.func @_tc2_body(%arg0: i32, %arg1: memref<2x1000x64xf32, #tpu.memory_space<vmem>>, %arg2: memref<1000x64xf32, #tpu.memory_space<vmem>>, %arg3: memref<1000x1xf32, #tpu.memory_space<vmem>>, %arg4: memref<1x64xf32, #tpu.memory_space<vmem>>, %arg5: memref<64x2xf32, #tpu.memory_space<vmem>>, %arg6: memref<1000x2xf32, #tpu.memory_space<vmem>>) attributes {dimension_semantics = [#tpu.dimension_semantics<arbitrary>], iteration_bounds = array<i64: 10>, scalar_prefetch = 0 : i64, scratch_operands = 0 : i64, tpu.core_type = #tpu.core_type<tc>, window_params = [{transform_indices = @transform_0, window_bounds = array<i64: 2, 1000, 64>}, {transform_indices = @transform_1, window_bounds = array<i64: 1000, 64>}, {transform_indices = @transform_2, window_bounds = array<i64: 1000, 1>}, {pipeline_mode = #tpu.pipeline_mode<synchronous>, transform_indices = @transform_3, window_bounds = array<i64: 1, 64>}, {pipeline_mode = #tpu.pipeline_mode<synchronous>, transform_indices = @transform_4, window_bounds = array<i64: 64, 2>}, {transform_indices = @transform_5, window_bounds = array<i64: 1000, 2>}]} {
    %get3A = arith.constant 0 : index
    %get3A_0 = arith.constant 0 : index
    %get3A_1 = arith.constant 0 : index
    %get3A_2 = vector.load %arg1[%get3A, %get3A_0, %get3A_1] : memref<2x1000x64xf32, #tpu.memory_space<vmem>>, vector<1x1000x64xf32>
    %get3A_3 = vector.shape_cast %get3A_2 : vector<1x1000x64xf32> to vector<1000x64xf32>
    %get3A_4 = arith.constant 1 : index
    %get3A_5 = arith.constant 0 : index
    %get3A_6 = arith.constant 0 : index
    %get3A_7 = vector.load %arg1[%get3A_4, %get3A_5, %get3A_6] : memref<2x1000x64xf32, #tpu.memory_space<vmem>>, vector<1x1000x64xf32>
    %get3A_8 = vector.shape_cast %get3A_7 : vector<1x1000x64xf32> to vector<1000x64xf32>
    %add3A = arith.addf %get3A_3, %get3A_8 : vector<1000x64xf32>
    %get3A_9 = arith.constant 0 : index
    %get3A_10 = arith.constant 0 : index
    %get3A_11 = vector.load %arg2[%get3A_9, %get3A_10] : memref<1000x64xf32, #tpu.memory_space<vmem>>, vector<1000x64xf32>
    %add3A_12 = arith.addf %add3A, %get3A_11 : vector<1000x64xf32>
    %get3A_13 = arith.constant 0 : index
    %get3A_14 = arith.constant 0 : index
    %get3A_15 = vector.load %arg3[%get3A_13, %get3A_14] : memref<1000x1xf32, #tpu.memory_space<vmem>>, vector<1000x1xf32>
    %mul3A = vector.broadcast %get3A_15 : vector<1000x1xf32> to vector<1000x64xf32>
    %mul3A_16 = arith.mulf %add3A_12, %mul3A : vector<1000x64xf32>
    %get3A_17 = arith.constant 0 : index
    %get3A_18 = arith.constant 0 : index
    %get3A_19 = vector.load %arg4[%get3A_17, %get3A_18] : memref<1x64xf32, #tpu.memory_space<vmem>>, vector<1x64xf32>
    %add3A_20 = vector.broadcast %get3A_19 : vector<1x64xf32> to vector<1000x64xf32>
    %add3A_21 = arith.addf %mul3A_16, %add3A_20 : vector<1000x64xf32>
    %max3A = arith.constant 0.000000e+00 : f32
    %max3A_22 = vector.broadcast %max3A : f32 to vector<1000x64xf32>
    %max3A_23 = arith.maximumf %add3A_21, %max3A_22 : vector<1000x64xf32>
    %get3A_24 = arith.constant 0 : index
    %get3A_25 = arith.constant 0 : index
    %get3A_26 = vector.load %arg5[%get3A_24, %get3A_25] : memref<64x2xf32, #tpu.memory_space<vmem>>, vector<64x2xf32>
    %dot_general3A = arith.constant dense<0.000000e+00> : vector<1000x2xf32>
    %dot_general3A_27 = tpu.matmul %max3A_23, %get3A_26, %dot_general3A {dimension_numbers = #tpu.dot_dimension_numbers<[1], [0], [0], [1], [0, 0, 1, 1], [], []>, transpose_lhs_hint = false} : vector<1000x64xf32>, vector<64x2xf32>, vector<1000x2xf32> -> vector<1000x2xf32>
    %get3A_28 = arith.constant 0 : index
    %get3A_29 = arith.constant 0 : index
    %get3A_30 = vector.load %arg3[%get3A_28, %get3A_29] : memref<1000x1xf32, #tpu.memory_space<vmem>>, vector<1000x1xf32>
    %mul3A_31 = vector.broadcast %get3A_30 : vector<1000x1xf32> to vector<1000x2xf32>
    %mul3A_32 = arith.mulf %dot_general3A_27, %mul3A_31 : vector<1000x2xf32>
    %swap3A = arith.constant 0 : index
    %swap3A_33 = arith.constant 0 : index
    %swap3A_34 = vector.load %arg6[%swap3A, %swap3A_33] : memref<1000x2xf32, #tpu.memory_space<vmem>>, vector<1000x2xf32>
    tpu.vector_store %arg6[%swap3A, %swap3A_33], %mul3A_32 {strides = array<i32>} : memref<1000x2xf32, #tpu.memory_space<vmem>>, vector<1000x2xf32>,
    return
  }
  func.func @transform_0(%arg0: i32) -> (i32, i32, i32) {
    %c0_i32 = arith.constant 0 : i32
    %c0_i32_0 = arith.constant 0 : i32
    %c0_i32_1 = arith.constant 0 : i32
    return %c0_i32, %arg0, %c0_i32_0 : i32, i32, i32
  }
  func.func @transform_1(%arg0: i32) -> (i32, i32) {
    %c0_i32 = arith.constant 0 : i32
    %c0_i32_0 = arith.constant 0 : i32
    return %arg0, %c0_i32 : i32, i32
  }
  func.func @transform_2(%arg0: i32) -> (i32, i32) {
    %c0_i32 = arith.constant 0 : i32
    %c0_i32_0 = arith.constant 0 : i32
    return %arg0, %c0_i32 : i32, i32
  }
  func.func @transform_3(%arg0: i32) -> (i32, i32) {
    %c0_i32 = arith.constant 0 : i32
    %c0_i32_0 = arith.constant 0 : i32
    %c0_i32_1 = arith.constant 0 : i32
    return %c0_i32, %c0_i32_0 : i32, i32
  }
  func.func @transform_4(%arg0: i32) -> (i32, i32) {
    %c0_i32 = arith.constant 0 : i32
    %c0_i32_0 = arith.constant 0 : i32
    %c0_i32_1 = arith.constant 0 : i32
    return %c0_i32, %c0_i32_0 : i32, i32
  }
  func.func @transform_5(%arg0: i32) -> (i32, i32) {
    %c0_i32 = arith.constant 0 : i32
    %c0_i32_0 = arith.constant 0 : i32
    return %arg0, %c0_i32 : i32, i32
  }
}

module attributes {stable_mosaic.version = 14 : i64} {
  func.func @_tc3_body(%arg0: i32, %arg1: memref<2000x32xf32, #tpu.memory_space<vmem>>, %arg2: memref<2000x1xf32, #tpu.memory_space<vmem>>, %arg3: memref<2000x1xf32, #tpu.memory_space<vmem>>, %arg4: memref<2000x1xf32, #tpu.memory_space<vmem>>, %arg5: memref<2000x1xf32, #tpu.memory_space<vmem>>) attributes {dimension_semantics = [#tpu.dimension_semantics<arbitrary>], iteration_bounds = array<i64: 10>, scalar_prefetch = 0 : i64, scratch_operands = 0 : i64, tpu.core_type = #tpu.core_type<tc>, window_params = [{transform_indices = @transform_0, window_bounds = array<i64: 2000, 32>}, {transform_indices = @transform_1, window_bounds = array<i64: 2000, 1>}, {transform_indices = @transform_2, window_bounds = array<i64: 2000, 1>}, {transform_indices = @transform_3, window_bounds = array<i64: 2000, 1>}, {transform_indices = @transform_4, window_bounds = array<i64: 2000, 1>}]} {
    %get3A = arith.constant 0 : index
    %get3A_0 = arith.constant 0 : index
    %get3A_1 = vector.load %arg1[%get3A, %get3A_0] : memref<2000x32xf32, #tpu.memory_space<vmem>>, vector<2000x32xf32>
    %reduce_sum3A = arith.constant dense<0.000000e+00> : vector<2000xf32>
    %reduce_sum3A_2 = vector.multi_reduction <add>, %get3A_1, %reduce_sum3A [1] : vector<2000x32xf32> to vector<2000xf32>
    %broadcast_in_dim3A = vector.shape_cast %reduce_sum3A_2 : vector<2000xf32> to vector<2000x1xf32>
    %get3A_3 = arith.constant 0 : index
    %get3A_4 = arith.constant 0 : index
    %get3A_5 = vector.load %arg3[%get3A_3, %get3A_4] : memref<2000x1xf32, #tpu.memory_space<vmem>>, vector<2000x1xf32>
    %get3A_6 = arith.constant 0 : index
    %get3A_7 = arith.constant 0 : index
    %get3A_8 = vector.load %arg2[%get3A_6, %get3A_7] : memref<2000x1xf32, #tpu.memory_space<vmem>>, vector<2000x1xf32>
    %add3A = arith.addf %broadcast_in_dim3A, %get3A_8 : vector<2000x1xf32>
    %mul3A = arith.mulf %get3A_5, %add3A : vector<2000x1xf32>
    %get3A_9 = arith.constant 0 : index
    %get3A_10 = arith.constant 0 : index
    %get3A_11 = vector.load %arg4[%get3A_9, %get3A_10] : memref<2000x1xf32, #tpu.memory_space<vmem>>, vector<2000x1xf32>
    %add3A_12 = arith.addf %mul3A, %get3A_11 : vector<2000x1xf32>
    %swap3A = arith.constant 0 : index
    %swap3A_13 = arith.constant 0 : index
    %swap3A_14 = vector.load %arg5[%swap3A, %swap3A_13] : memref<2000x1xf32, #tpu.memory_space<vmem>>, vector<2000x1xf32>
    tpu.vector_store %arg5[%swap3A, %swap3A_13], %add3A_12 {strides = array<i32>} : memref<2000x1xf32, #tpu.memory_space<vmem>>, vector<2000x1xf32>,
    return
  }
  func.func @transform_0(%arg0: i32) -> (i32, i32) {
    %c0_i32 = arith.constant 0 : i32
    %c0_i32_0 = arith.constant 0 : i32
    return %arg0, %c0_i32 : i32, i32
  }
  func.func @transform_1(%arg0: i32) -> (i32, i32) {
    %c0_i32 = arith.constant 0 : i32
    %c0_i32_0 = arith.constant 0 : i32
    return %arg0, %c0_i32 : i32, i32
  }
  func.func @transform_2(%arg0: i32) -> (i32, i32) {
    %c0_i32 = arith.constant 0 : i32
    %c0_i32_0 = arith.constant 0 : i32
    return %arg0, %c0_i32 : i32, i32
  }
  func.func @transform_3(%arg0: i32) -> (i32, i32) {
    %c0_i32 = arith.constant 0 : i32
    %c0_i32_0 = arith.constant 0 : i32
    return %arg0, %c0_i32 : i32, i32
  }
  func.func @transform_4(%arg0: i32) -> (i32, i32) {
    %c0_i32 = arith.constant 0 : i32
    %c0_i32_0 = arith.constant 0 : i32
    return %arg0, %c0_i32 : i32, i32
  }
}

</mosaic_0001>

<sc_bundles>
// kernel: kernel.11.cloned.1.call-start
scs
__scs_entry_jumppad:
0x0: {  	(pc) =	sbr.rel $0x88, $3  }
0x1: {  	(tag) =	ssettag $0x0;
	lr =	simm.s32 $0x1  }
0x2: {  	[smem:$0x3F9B] =	sst lr;
	_ =	strace $0xD0000000  }
0x3: {  	_ = 	snop  }
0x4: {  	_ = 	snop  }
0x5: {  	_ = 	snop  }
0x6: {  	_ = 	snop  }
0x7: {  	_ = 	snop  }
__scs_overlays_trampoline_lowered:
0x8: {  	[smem:$0x3FAA] =	sst s0  }
0x9: {  	[smem:$0x3FAB] =	sst s1  }
0xa: {  	[smem:$0x3FAC] =	sst s2  }
0xb: {  	[smem:$0x3FAD] =	sst s3  }
0xc: {  	[smem:$0x3FAE] =	sst s4  }
0xd: {  	[smem:$0x3FAF] =	sst s5  }
0xe: {  	[smem:$0x3FB0] =	sst s6  }
0xf: {  	[smem:$0x3FB1] =	sst s7  }
0x10: {  	[smem:$0x3FB2] =	sst s8  }
0x11: {  	[smem:$0x3FB3] =	sst s9;
	s0 =	simm.s32 @!p0 $0x0  }
0x12: {  	s1 =	sld [smem:$0x3F99];
	s0 =	simm.s32 @p0 $0x1  }
0x13: {  	[smem:$0x3FB4] =	sst s0;
	s0 =	simm.s32 @!p1 $0x0  }
0x14: {  	s2 =	sld [smem:$0x3F98];
	s0 =	simm.s32 @p1 $0x1  }
0x15: {  	[smem:$0x3FB5] =	sst s0;
	s0 =	simm.s32 @!p2 $0x0  }
0x16: {  	s3 =	sld [smem:$0x3FDB];
	s0 =	simm.s32 @p2 $0x1  }
0x17: {  	s4 =	simm.s32 $0x1BF5;
	[smem:$0x3FB7] =	sst s0  }
0x18: {  	s0 =	sld [smem:$0x3F9A];
	_ =	swait.ge [sflag:s4], $0x0  }
0x19: {  	s7 =	sld [smem:$0x3F9B]  }
0x1a: {  	s8 =	sadd.s32 $0xFFFFE003, lr  }
0x1b: {  	s9 =	sadd.s32 $0xFFFFFEF7, lr;
	s5 =	simm.s32 $0xFFFFFFFF;
	p2 =	slt.u32 s8, $0xFFFFF086  }
0x1c: {  	p1 =	slt.u32 s9, $0xF7A;
	s5 =	simm.s32 @!p2 $0x0  }
0x1d: {  	s5 =	simm.s32 @p1 $0x1;
	p0 =	seq.s32 s7, s2  }
0x1e: {  	s7 =	smul.u32 @!p0 $0xF7A, s2;
	p2 =	seq.s32 @!p0 s5, $0x0  }
0x1f: {  	s9 =	smul.u32 $0xF7A, s1;
	s8 =	simm.s32 @!p0 $0x1BF5;
	p2 =	por !p2, p0  }
0x20: {  	[sflag:s8] =	ssyncset.s32 @!p0 $0xFFFFF086;
	s6 =	sadd.s32 @!p0 s3, s7;
	s7 =	simm.s32 @!p0 $0x108  }
0x21: {  	s3 =	sadd.s32 s3, s9;
	s6 =	sadd.s32 @!p0 $0x88, s6;
	s7 =	simm.s32 @p2 $0x1082  }
0x22: {  	[simem:s7], [sflag:s8] =	dma.local @!p0 [hbm:s6], $0xF7A  }
0x23: {  	s9 =	sor.u32 $0xD0000000, s2;
	s6 =	simm.s32 $0x108;
	_ =	swait.ge @!p0 [sflag:s8], $0x0  }
0x24: {  	s3 =	sadd.s32 $0x88, s3;
	s6 =	simm.s32 @!p1 $0x1082;
	[sflag:s4] =	ssyncset.s32 $0xFFFFF086  }
0x25: {  	[simem:s6], [sflag:s4] =	dma.local [hbm:s3], $0xF7A  }
0x26: {  	[smem:$0x3F9B] =	sst s1;
	(tag) =	ssettag s2;
	_ =	strace s9  }
0x27: {  	s1 =	sld [smem:$0x3FAB]  }
0x28: {  	s2 =	sld [smem:$0x3FAC]  }
0x29: {  	s4 =	sld [smem:$0x3FAE]  }
0x2a: {  	p0 =	seq.s32 s5, $0x0;
	s5 =	sld [smem:$0x3FAF]  }
0x2b: {  	s6 =	sld [smem:$0x3FB0]  }
0x2c: {  	s7 =	sld [smem:$0x3FB1]  }
0x2d: {  	s3 =	simm.s32 $0x108;
	s8 =	sld [smem:$0x3FB2]  }
0x2e: {  	s3 =	simm.s32 @!p0 $0x1082;
	s9 =	sld [smem:$0x3FB3]  }
0x2f: {  	lr =	sadd.s32 s0, s3;
	s0 =	sld [smem:$0x3FAA]  }
0x30: {  	s3 =	sld [smem:$0x3FAD]  }
0x31: {  	[smem:$0x3FB6] =	sst s10  }
0x32: {  	s10 =	sld [smem:$0x3FB4];
	_ =	sdelay $0x3  }
0x33: {  	p0 =	seq.s32 s10, $0x1;
	s10 =	sld [smem:$0x3FB6];
	_ =	sdelay $0x3  }
0x34: {  	[smem:$0x3FB6] =	sst s10  }
0x35: {  	s10 =	sld [smem:$0x3FB5];
	_ =	sdelay $0x3  }
0x36: {  	p1 =	seq.s32 s10, $0x1;
	s10 =	sld [smem:$0x3FB6];
	_ =	sdelay $0x3  }
0x37: {  	[smem:$0x3FB6] =	sst s10  }
0x38: {  	s10 =	sld [smem:$0x3FB7]  }
0x39: {  	_ = 	snop;
	(pc) =	sbr.ind lr, $3  }
0x3a: {  	_ = 	snop  }
0x3b: {  	_ = 	snop  }
0x3c: {  	p2 =	seq.s32 s10, $0x1;
	s10 =	sld [smem:$0x3FB6]  }
0x3d: {  	_ =	shalt  }
0x3e: {  	_ =	shalt  }
0x3f: {  	_ =	shalt  }
0x40: {  	_ =	shalt  }
0x41: {  	_ =	shalt  }
0x42: {  	_ =	shalt  }
0x43: {  	_ =	shalt  }
0x44: {  	_ =	shalt  }
0x45: {  	_ =	shalt  }
0x46: {  	_ =	shalt  }
0x47: {  	_ =	shalt  }
0x48: {  	_ =	shalt  }
0x49: {  	_ =	shalt  }
0x4a: {  	_ =	shalt  }
0x4b: {  	_ =	shalt  }
0x4c: {  	_ =	shalt  }
0x4d: {  	_ =	shalt  }
0x4e: {  	_ =	shalt  }
0x4f: {  	_ =	shalt  }
0x50: {  	_ =	shalt  }
0x51: {  	_ =	shalt  }
0x52: {  	_ =	shalt  }
0x53: {  	_ =	shalt  }
0x54: {  	_ =	shalt  }
0x55: {  	_ =	shalt  }
0x56: {  	_ =	shalt  }
0x57: {  	_ =	shalt  }
0x58: {  	_ =	shalt  }
0x59: {  	_ =	shalt  }
0x5a: {  	_ =	shalt  }
0x5b: {  	_ =	shalt  }
0x5c: {  	_ =	shalt  }
0x5d: {  	_ =	shalt  }
0x5e: {  	_ =	shalt  }
0x5f: {  	_ =	shalt  }
0x60: {  	_ =	shalt  }
0x61: {  	_ =	shalt  }
0x62: {  	_ =	shalt  }
0x63: {  	_ =	shalt  }
0x64: {  	_ =	shalt  }
0x65: {  	_ =	shalt  }
0x66: {  	_ =	shalt  }
0x67: {  	_ =	shalt  }
0x68: {  	_ =	shalt  }
0x69: {  	_ =	shalt  }
0x6a: {  	_ =	shalt  }
0x6b: {  	_ =	shalt  }
0x6c: {  	_ =	shalt  }
0x6d: {  	_ =	shalt  }
0x6e: {  	_ =	shalt  }
0x6f: {  	_ =	shalt  }
0x70: {  	_ =	shalt  }
0x71: {  	_ =	shalt  }
0x72: {  	_ =	shalt  }
0x73: {  	_ =	shalt  }
0x74: {  	_ =	shalt  }
0x75: {  	_ =	shalt  }
0x76: {  	_ =	shalt  }
0x77: {  	_ =	shalt  }
0x78: {  	_ =	shalt  }
0x79: {  	_ =	shalt  }
0x7a: {  	_ =	shalt  }
0x7b: {  	_ =	shalt  }
0x7c: {  	_ =	shalt  }
0x7d: {  	_ =	shalt  }
0x7e: {  	_ =	shalt  }
0x7f: {  	_ =	shalt  }
0x80: {  	_ =	shalt  }
0x81: {  	_ =	shalt  }
0x82: {  	_ =	shalt  }
0x83: {  	_ =	shalt  }
0x84: {  	_ =	shalt  }
0x85: {  	_ =	shalt  }
0x86: {  	_ =	shalt  }
0x87: {  	_ =	shalt  }
.Lfunc_end0:
.L_simem_size_0:
called_computation.1_lowered:
.L_overlay_start_0:
0x88: {  	s2 =	sld [smem:$0x3FD9]  }
0x89: {  	s3 =	sld [smem:$0x3FFE];
	_ =	sdelay $0x1  }
0x8a: {  	s1 =	srdreg.scid  }
0x8b: {  	s0 =	sand.u32 $0x1, s1  }
0x8c: {  	s16 =	sshll.u32 s0, $0xA;
	s2 =	sadd.s32 s3, s2  }
0x8d: {  	s2 =	sadd.s32 s2, s16  }
0x8e: {  	[smem:$0x3FC2] =	sst s2  }
0x8f: {  	_ = 	snop  }
0x90: {  	(tm) =	ssettm $0x1  }
0x91: {  	s17 =	sld [smem:$0x3FFB];
	_ =	sdelay $0x3  }
0x92: {  	_ =	strace s17  }
0x93: {  	s2 =	sld [smem:$0x3FFC];
	_ =	sdelay $0x3  }
0x94: {  	_ =	strace s2  }
0x95: {  	s2 =	sld [smem:$0x3FFD];
	_ =	sdelay $0x3  }
0x96: {  	_ =	strace s2  }
0x97: {  	_ =	strace $0x8FFFFFFF  }
0x98: {  	s18 =	sld [smem:$0x3FDB];
	_ =	sdelay $0x1  }
0x99: {  	s19 =	simm.s32 $_scs_section_size  }
0x9a: {  	s4 =	simm.s32 $_size__tile_overlayer_lowered;
	s5 =	simm.s32 $_tile_overlayer_lowered  }
0x9b: {  	s22 =	simm.s32 $0x1BFF;
	s21 =	sshll.u32 s5, $0x1;
	s2 =	sadd.s32 s19, s18  }
0x9c: {  	s6 =	simm.s32 $0x0;
	s20 =	sshll.u32 s4, $0x1;
	s4 =	sadd.s32 s21, s2  }
0x9d: {  	[timem:s6], [sflag:s22] =	dma.local [hbm:s4], s20  }
0x9e: {  	_ =	swait.ge [sflag:s22], s20  }
0x9f: {  	s3 =	ssub.s32 $0x0, s20;
	[sflag:s22] =	ssyncset.done $0x0  }
0xa0: {  	[sflag:s22] =	ssyncadd.s32 s3;
	_ =	sdelay $0x1  }
0xa1: {  	s23 =	simm.s32 $0x1B8B  }
0xa2: {  	_ =	swait.ge [sflag:s23], $0x1  }
0xa3: {  	[sflag:s23] =	ssyncset.done $0x0  }
0xa4: {  	s25 =	simm.s32 $0x1B8E;
	s24 =	sld [smem:$0x3FFE];
	[sflag:s23] =	ssyncadd.s32 $0xFFFFFFFF  }
0xa5: {  	s26 =	simm.s32 $execute0_lowered;
	[smem:$0x3FD2] =	sst s25  }
0xa6: {  	s4 =	sshll.u32 s26, $0x1;
	_ =	strace $0x80000049;
	[dreg:$0x1] =	wrdreg $0xFFFFFFFF  }
0xa7: {  	s28 =	simm.s32 $_size_execute0_lowered;
	s2 =	sadd.s32 s2, s4;
	[dreg:$0x0] =	wrdreg $0x0  }
0xa8: {  	s4 =	sshll.u32 s28, $0x1;
	[dreg:$0x2] =	wrdreg s2  }
0xa9: {  	[dreg:$0x3] =	wrdreg s4  }
0xaa: {  	[dreg:$0x4] =	wrdreg $0xC0  }
0xab: {  	_ =	task [dreg:s6], $0x5FFFF  }
0xac: {  	[dreg:$0x1] =	wrdreg $0xFFFFFFFF  }
0xad: {  	[dreg:$0x0] =	wrdreg $0x60  }
0xae: {  	[dreg:$0x2] =	wrdreg s24  }
0xaf: {  	[dreg:$0x3] =	wrdreg $0x12B400  }
0xb0: {  	[dreg:$0x4] =	wrdreg $0x8F000  }
0xb1: {  	[dreg:$0x5] =	wrdreg $0x9  }
0xb2: {  	_ =	task.clear_ibuf [dreg:s6], $0x6FFFF;
	_ =	strace $0x90000049  }
0xb3: {  	s29 =	simm.s32 $0x9;
	_ =	strace $0x8000004B  }
0xb4: {  	_ =	swait.ge [sflag:s29], $0x1  }
0xb5: {  	[sflag:s29] =	ssyncadd.s32 $0xFFFFFFFF  }
0xb6: {  	_ =	strace $0x9000004B  }
0xb7: {  	_ =	sfence  }
0xb8: {  	s30 =	sld [smem:$0x0];
	_ =	sdelay $0x2  }
0xb9: {  	s31 =	sshll.u32 s1, $0xD;
	s1 =	sshrl.u32 s1, $0x2  }
0xba: {  	s3 =	sand.u32 $0x4000, s31;
	s1 =	sadd.s32 s1, s30  }
0xbb: {  	s0 =	sor.u32 s3, s0;
	s1 =	sshll.u32 s1, $0x11  }
0xbc: {  	s0 =	sor.u32 s1, s0  }
0xbd: {  	s0 =	sadd.s32 $0x8F2B, s0  }
0xbe: {  	[sflag:s0] =	ssyncadd.remote.s32 $0x1  }
0xbf: {  	_ =	sfence.sel $0xFFFF  }
0xc0: {  	[dreg:$0x0] =	wrdreg $0xFFFFFFFF;
	(pc) =	sbr.abs _section_cstart, $3  }
0xc1: {  	[dreg:$0x1] =	wrdreg $0xFFFFFFFF  }
0xc2: {  	_ =	task.clear_ibuf [dreg:s6], $0x2FFFF;
	_ =	strace $0x9FFFFFFF  }
0xc3: {  	(tm) =	ssettm $0x7FFFFFFF  }
tec
execute0_lowered:
.L_overlay_start_1:
0x0: {  	(tag) =	ssettag $0x1  }
0x1: {  	s6 =	rddreg [dreg:$0x0]  }
0x2: {  	s2 =	rddreg [dreg:$0x1]  }
0x3: {  	s3 =	rddreg [dreg:$0x2];
	s1 =	stileid.u32;
	s4 =	simm.s32 $0x0  }
0x4: {  	s5 =	srdreg.scid;
	s19 =	simm.s32 $0x2780;
	s20 =	simm.s32 $0x80  }
0x5: {  	s21 =	simm.s32 $0x4F00;
	s22 =	simm.s32 $0x2;
	s23 =	simm.s32 $0x6F00  }
0x6: {  	s28 =	simm.s32 $0x4E00;
	s29 =	simm.s32 $0x0;
	s7 =	smul.u32 $0x9C40, s1  }
0x7: {  	[smem:$0x7FF] =	sst s4;
	s9 =	sand.u32 $0x1, s5;
	s10 =	sadd.s32 $0xA00, s6  }
0x8: {  	s12 =	sadd.s32 $0xA800, s6;
	s5 =	sadd.s32 $0x28000, s6;
	s17 =	sshll.u32 s1, $0x6  }
0x9: {  	_ =	strace $0x8000004A;
	s11 =	smul.u32 $0x9C400, s9;
	s13 =	sshll.u32 s9, $0x4  }
0xa: {  	s9 =	ssub.s32 $0x2, s9;
	s8 =	sshrl.u32 s7, $0x3;
	s14 =	sor.u32 s1, s13  }
0xb: {  	s24 =	sshrl.u32 s9, $0x1;
	s30 =	sadd.s32 s7, s2;
	s18 =	sadd.s32 s7, s3  }
0xc: {  	s8 =	sadd.s32 s8, s6;
	s11 =	sadd.s32 s7, s11;
	s15 =	smul.u32 $0x4E, s14  }
0xd: {  	s13 =	ssub.s32 s9, s24;
	s25 =	smin.u32 s14, $0x4;
	p0 =	sgt.u32 s14, $0x3  }
0xe: {  	s14 =	sshrl.u32 s30, $0x3;
	s24 =	simm.s32 $0x3;
	s11 =	sshrl.u32 s11, $0x3  }
0xf: {  	s7 =	sadd.s32 $0x14600, s8;
	s13 =	smax.u32 s13, $0x1;
	s16 =	sadd.s32 s11, s6  }
0x10: {  	s26 =	sadd.s32 s25, s15;
	s6 =	sor.u32 $0x1C01, s17;
	s15 =	simm.s32 $0x1  }
0x11: {  	s25 =	simm.s32 $0x2680;
	s9 =	sshll.u32 s26, $0x4;
	s26 =	simm.s32 $0x4D80  }
0x12: {  	s8 =	sadd.s32 s10, s9;
	s31 =	sadd.s32 $0x4E0, s9;
	s9 =	sadd.s32 s12, s9  }
0x13: {  	s10 =	sadd.s32 s10, s31;
	s11 =	sadd.s32 s12, s31;
	s12 =	sadd.s32 $0x29400, s16  }
0x14: {  	s16 =	sor.u32 $0x1C04, s17;
	s17 =	sshrl.u32 s18, $0x3;
	s18 =	simm.s32 $0x4  }
.LBB2_1:
0x15: {  	[spmem:s14], [sflag:s6] =	dma.local [hbm:s5], $0x1388  }
0x16: {  	_ =	swait.ge [sflag:s15], $0x1388  }
0x17: {  	[sflag:s15] =	ssyncset.done $0x0  }
0x18: {  	[sflag:s15] =	ssyncadd.s32 $0xFFFFEC78  }
0x19: {  	[spmem:s17], [sflag:s16] =	dma.local [hbm:s7], $0x1388  }
0x1a: {  	_ =	swait.ge [sflag:s18], $0x1388  }
0x1b: {  	[sflag:s18] =	ssyncset.done $0x0  }
0x1c: {  	[sflag:s18] =	ssyncadd.s32 $0xFFFFEC78  }
0x1d: {  	[tilespmem:s4], [sflag:$0x1] =	stream.linear.gather [hbm4b:s8+s4], $0x2700, $0x38;
	[tilespmem:$0x1C780] =	vst v63  }
0x1e: {  	_ =	swait.ge [sflag:s15], $0x2700  }
0x1f: {  	[sflag:s15] =	ssyncset.done $0x0  }
0x20: {  	[sflag:s15] =	ssyncadd.s32 $0xFFFFD900  }
0x21: {  	[tilespmem:s19], [sflag:$0x1] =	stream.linear.gather [hbm4b:s9+s4], $0x2700, $0x38;
	[tilespmem:$0x1C780] =	vst v63  }
0x22: {  	_ =	swait.ge [sflag:s15], $0x2700  }
0x23: {  	[sflag:s15] =	ssyncset.done $0x0  }
0x24: {  	s30 =	simm.s32 @!p0 $0x0;
	s31 =	simm.s32 @!p0 $0x2700;
	[sflag:s15] =	ssyncadd.s32 $0xFFFFD900  }
0x25: {  	[tilespmem:s31], [sflag:$0x1] =	stream.linear.gather @!p0 [hbm4b:s10+s30], $0x80, $0x38;
	[tilespmem:$0x1C780] =	vst v63  }
0x26: {  	s31 =	simm.s32 @!p0 $0x1  }
0x27: {  	_ =	swait.ge @!p0 [sflag:s31], $0x80  }
0x28: {  	[sflag:s31] =	ssyncset.done @!p0 $0x0  }
0x29: {  	s0 =	simm.s32 @!p0 $0x4E80;
	[sflag:s31] =	ssyncadd.s32 @!p0 $0xFFFFFF80  }
0x2a: {  	[tilespmem:s0], [sflag:$0x1] =	stream.linear.gather @!p0 [hbm4b:s11+s30], $0x80, $0x38;
	[tilespmem:$0x1C780] =	vst v63  }
0x2b: {  	_ =	swait.ge @!p0 [sflag:s31], $0x80  }
0x2c: {  	[sflag:s31] =	ssyncset.done @!p0 $0x0  }
0x2d: {  	[sflag:s31] =	ssyncadd.s32 @!p0 $0xFFFFFF80  }
0x2e: {  	[bflag:$0x0] =	sbarrier.arrive $0xFFFF  }
0x2f: {  	[tilespmem:s21], [sflag:$0x2] =	stream.indirect.gather [spmem:s3], $0x40, s4, s20, $0xb8;
	[tilespmem:$0x1C780] =	vst v63  }
0x30: {  	_ =	swait.ge [sflag:s22], $0x2000  }
0x31: {  	[sflag:s22] =	ssyncset.done $0x0  }
0x32: {  	s31 =	simm.s32 $0x80;
	[sflag:s22] =	ssyncadd.s32 $0xFFFFE000  }
0x33: {  	[tilespmem:s23], [sflag:$0x3] =	stream.indirect.gather [spmem:s3], $0x40, s31, s20, $0xb8;
	[tilespmem:$0x1C780] =	vst v63  }
0x34: {  	s31 =	simm.s32 $0x2780  }
0x35: {  	[spmem:s2] =	stream.indirect.scatter.add.f32 [tilespmem:s21], [sflag:$0x4], $0x40, s31, s20, $0xb8;
	[tilespmem:$0x1C780] =	vst v63  }
0x36: {  	_ =	swait.ge [sflag:s18], $0x2000  }
0x37: {  	[sflag:s18] =	ssyncset.done $0x0  }
0x38: {  	[sflag:s18] =	ssyncadd.s32 $0xFFFFE000  }
0x39: {  	_ =	swait.ge [sflag:s24], $0x2000  }
0x3a: {  	[sflag:s24] =	ssyncset.done $0x0  }
0x3b: {  	s31 =	simm.s32 $0x100;
	[sflag:s24] =	ssyncadd.s32 $0xFFFFE000  }
0x3c: {  	[tilespmem:s21], [sflag:$0x2] =	stream.indirect.gather [spmem:s3], $0x40, s31, s20, $0xb8;
	[tilespmem:$0x1C780] =	vst v63  }
0x3d: {  	s31 =	simm.s32 $0x2800  }
0x3e: {  	[spmem:s2] =	stream.indirect.scatter.add.f32 [tilespmem:s23], [sflag:$0x4], $0x40, s31, s20, $0xb8;
	[tilespmem:$0x1C780] =	vst v63  }
0x3f: {  	_ =	swait.ge [sflag:s18], $0x2000  }
0x40: {  	s30 =	simm.s32 $0x400;
	[sflag:s18] =	ssyncset.done $0x0  }
.LBB2_2:
0x41: {  	p1 =	sne.s32 s30, $0x9400  }
0x42: {  	[sflag:s18] =	ssyncadd.s32 $0xFFFFE000;
	s0 =	smov.u32 s30;
	s30 =	sadd.s32 $0x400, s30  }
0x43: {  	_ = 	snop  }
0x44: {  	_ =	swait.ge [sflag:s22], $0x2000  }
0x45: {  	s0 =	sshra.s32 s0, $0x2;
	[sflag:s22] =	ssyncset.done $0x0  }
0x46: {  	s31 =	sadd.s32 $0x80, s0;
	[sflag:s22] =	ssyncadd.s32 $0xFFFFE000  }
0x47: {  	[tilespmem:s23], [sflag:$0x3] =	stream.indirect.gather [spmem:s3], $0x40, s31, s20, $0xb8;
	[tilespmem:$0x1C780] =	vst v63  }
0x48: {  	s31 =	sadd.s32 $0x2780, s0  }
0x49: {  	[spmem:s2] =	stream.indirect.scatter.add.f32 [tilespmem:s21], [sflag:$0x4], $0x40, s31, s20, $0xb8;
	[tilespmem:$0x1C780] =	vst v63  }
0x4a: {  	_ =	swait.ge [sflag:s18], $0x2000  }
0x4b: {  	[sflag:s18] =	ssyncset.done $0x0  }
0x4c: {  	[sflag:s18] =	ssyncadd.s32 $0xFFFFE000  }
0x4d: {  	_ =	swait.ge [sflag:s24], $0x2000  }
0x4e: {  	[sflag:s24] =	ssyncset.done $0x0  }
0x4f: {  	s31 =	sadd.s32 $0x100, s0;
	[sflag:s24] =	ssyncadd.s32 $0xFFFFE000  }
0x50: {  	[tilespmem:s21], [sflag:$0x2] =	stream.indirect.gather [spmem:s3], $0x40, s31, s20, $0xb8;
	[tilespmem:$0x1C780] =	vst v63  }
.Ltmp0:
0x51: {  	_ = 	snop;
	(pc) =	sbr.rel @p1 .LBB2_2-.Ltmp0, $4  }
0x52: {  	s0 =	sadd.s32 $0x2800, s0  }
0x53: {  	[spmem:s2] =	stream.indirect.scatter.add.f32 [tilespmem:s23], [sflag:$0x4], $0x40, s0, s20, $0xb8;
	[tilespmem:$0x1C780] =	vst v63  }
0x54: {  	_ =	swait.ge [sflag:s18], $0x2000  }
0x55: {  	[sflag:s18] =	ssyncset.done $0x0  }
0x56: {  	[sflag:s18] =	ssyncadd.s32 $0xFFFFE000  }
0x57: {  	_ =	swait.ge [sflag:s22], $0x2000  }
0x58: {  	[sflag:s22] =	ssyncset.done $0x0  }
0x59: {  	[sflag:s22] =	ssyncadd.s32 $0xFFFFE000  }
0x5a: {  	[tilespmem:s23], [sflag:$0x3] =	stream.indirect.gather [spmem:s3], $0x40, s25, s20, $0xb8;
	[tilespmem:$0x1C780] =	vst v63  }
0x5b: {  	_ = 	snop  }
0x5c: {  	[spmem:s2] =	stream.indirect.scatter.add.f32 [tilespmem:s21], [sflag:$0x4], $0x40, s26, s20, $0xb8;
	[tilespmem:$0x1C780] =	vst v63  }
0x5d: {  	_ =	swait.ge [sflag:s18], $0x2000  }
0x5e: {  	[sflag:s18] =	ssyncset.done $0x0  }
0x5f: {  	[sflag:s18] =	ssyncadd.s32 $0xFFFFE000  }
0x60: {  	_ =	swait.ge [sflag:s24], $0x2000  }
0x61: {  	[sflag:s24] =	ssyncset.done $0x0  }
0x62: {  	[sflag:s24] =	ssyncadd.s32 $0xFFFFE000  }
0x63: {  	[spmem:s2] =	stream.indirect.scatter.add.f32 [tilespmem:s23], [sflag:$0x4], $0x40, s28, s20, $0xb8;
	[tilespmem:$0x1C780] =	vst v63  }
0x64: {  	_ =	swait.ge [sflag:s18], $0x2000  }
0x65: {  	s0 =	simm.s32 @!p0 $0x80;
	[sflag:s18] =	ssyncset.done $0x0  }
0x66: {  	s30 =	simm.s32 @!p0 $0x2700;
	s31 =	simm.s32 @!p0 $0x4F00;
	[sflag:s18] =	ssyncadd.s32 $0xFFFFE000  }
0x67: {  	[tilespmem:s31], [sflag:$0x2] =	stream.indirect.gather @!p0 [spmem:s3], $0x40, s30, s0, $0xb8;
	[tilespmem:$0x1C780] =	vst v63  }
0x68: {  	s30 =	simm.s32 @!p0 $0x2  }
0x69: {  	_ =	swait.ge @!p0 [sflag:s30], $0x2000  }
0x6a: {  	[sflag:s30] =	ssyncset.done @!p0 $0x0  }
0x6b: {  	[sflag:s30] =	ssyncadd.s32 @!p0 $0xFFFFE000;
	s30 =	simm.s32 @!p0 $0x4E80  }
0x6c: {  	[spmem:s2] =	stream.indirect.scatter.add.f32 @!p0 [tilespmem:s31], [sflag:$0x4], $0x40, s30, s0, $0xb8;
	[tilespmem:$0x1C780] =	vst v63  }
0x6d: {  	s0 =	simm.s32 @!p0 $0x4  }
0x6e: {  	_ =	swait.ge @!p0 [sflag:s0], $0x2000  }
0x6f: {  	s29 =	sadd.s32 $0x1, s29;
	[sflag:s0] =	ssyncset.done @!p0 $0x0  }
0x70: {  	p1 =	sne.s32 s29, s13;
	[sflag:s0] =	ssyncadd.s32 @!p0 $0xFFFFE000  }
.Ltmp1:
0x71: {  	[bflag:$0x0] =	sbarrier.arrive $0xFFFF;
	(pc) =	sbr.rel @p1 .LBB2_1-.Ltmp1, $4  }
0x72: {  	[hbm:s12], [sflag:s16] =	dma.local [spmem:s14], $0x1388  }
0x73: {  	_ =	swait.ge [sflag:s18], $0x1388  }
0x74: {  	[sflag:s18] =	ssyncset.done $0x0  }
0x75: {  	[sflag:s18] =	ssyncadd.s32 $0xFFFFEC78  }
0x76: {  	_ =	sfence.sel $0x180000  }
0x77: {  	[bflag:$0x0] =	sbarrier.arrive $0xFFFF  }
0x78: {  	_ =	strace $0x9000004A  }
0x79: {  	[bflag:$0x2] =	sbarrier.arrive $0xFFFF  }
0x7a: {  	p0 =	sne.s32 s1, $0x0;
	s0 =	rddreg [dreg:$0x3]  }
0x7b: {  	s0 =	sadd.s32 @!p0 $0x100000, s0  }
0x7c: {  	[sflag:s0] =	ssyncadd.tile.s32 @!p0 $0x1;
	_ =	shalt  }
.Lfunc_end2:
_tile_overlayer_lowered:
.L_overlay_start_2:
0x7d: {  	(tag) =	ssettag $0x2  }
0x7e: {  	s0 =	rddreg [dreg:$0x0];
	s2 =	stileid.u32  }
0x7f: {  	s1 =	rddreg [dreg:$0x1];
	p0 =	sne.s32 s2, $0x0  }
0x80: {  	s3 =	rddreg [dreg:$0x2];
	[bflag:$0x3] =	sbarrier.arrive $0xFFFF;
	s2 =	simm.s32 @!p0 $0x1C04  }
0x81: {  	[timem:s3], [sflag:s2] =	dma.local @!p0 [hbm:s0], s1  }
0x82: {  	s0 =	simm.s32 @!p0 $0x4  }
0x83: {  	_ =	swait.ge @!p0 [sflag:s0], s1  }
0x84: {  	s1 =	ssub.s32 @!p0 $0x0, s1;
	[sflag:s0] =	ssyncset.done @!p0 $0x0  }
0x85: {  	[sflag:s0] =	ssyncadd.s32 @!p0 s1  }
0x86: {  	[bflag:$0x3] =	sbarrier.arrive $0xFFFF  }
0x87: {  	_ =	shalt  }

// kernel: kernel.14.cloned.1.call-start
scs
__scs_entry_jumppad:
0x0: {  	(pc) =	sbr.rel $0x88, $3  }
0x1: {  	(tag) =	ssettag $0x0;
	lr =	simm.s32 $0x1  }
0x2: {  	[smem:$0x3F9B] =	sst lr;
	_ =	strace $0xD0000000  }
0x3: {  	_ = 	snop  }
0x4: {  	_ = 	snop  }
0x5: {  	_ = 	snop  }
0x6: {  	_ = 	snop  }
0x7: {  	_ = 	snop  }
__scs_overlays_trampoline_lowered:
0x8: {  	[smem:$0x3FAA] =	sst s0  }
0x9: {  	[smem:$0x3FAB] =	sst s1  }
0xa: {  	[smem:$0x3FAC] =	sst s2  }
0xb: {  	[smem:$0x3FAD] =	sst s3  }
0xc: {  	[smem:$0x3FAE] =	sst s4  }
0xd: {  	[smem:$0x3FAF] =	sst s5  }
0xe: {  	[smem:$0x3FB0] =	sst s6  }
0xf: {  	[smem:$0x3FB1] =	sst s7  }
0x10: {  	[smem:$0x3FB2] =	sst s8  }
0x11: {  	[smem:$0x3FB3] =	sst s9;
	s0 =	simm.s32 @!p0 $0x0  }
0x12: {  	s1 =	sld [smem:$0x3F99];
	s0 =	simm.s32 @p0 $0x1  }
0x13: {  	[smem:$0x3FB4] =	sst s0;
	s0 =	simm.s32 @!p1 $0x0  }
0x14: {  	s2 =	sld [smem:$0x3F98];
	s0 =	simm.s32 @p1 $0x1  }
0x15: {  	[smem:$0x3FB5] =	sst s0;
	s0 =	simm.s32 @!p2 $0x0  }
0x16: {  	s3 =	sld [smem:$0x3FDB];
	s0 =	simm.s32 @p2 $0x1  }
0x17: {  	s4 =	simm.s32 $0x1BF5;
	[smem:$0x3FB7] =	sst s0  }
0x18: {  	s0 =	sld [smem:$0x3F9A];
	_ =	swait.ge [sflag:s4], $0x0  }
0x19: {  	s7 =	sld [smem:$0x3F9B]  }
0x1a: {  	s8 =	sadd.s32 $0xFFFFE003, lr  }
0x1b: {  	s9 =	sadd.s32 $0xFFFFFEF7, lr;
	s5 =	simm.s32 $0xFFFFFFFF;
	p2 =	slt.u32 s8, $0xFFFFF086  }
0x1c: {  	p1 =	slt.u32 s9, $0xF7A;
	s5 =	simm.s32 @!p2 $0x0  }
0x1d: {  	s5 =	simm.s32 @p1 $0x1;
	p0 =	seq.s32 s7, s2  }
0x1e: {  	s7 =	smul.u32 @!p0 $0xF7A, s2;
	p2 =	seq.s32 @!p0 s5, $0x0  }
0x1f: {  	s9 =	smul.u32 $0xF7A, s1;
	s8 =	simm.s32 @!p0 $0x1BF5;
	p2 =	por !p2, p0  }
0x20: {  	[sflag:s8] =	ssyncset.s32 @!p0 $0xFFFFF086;
	s6 =	sadd.s32 @!p0 s3, s7;
	s7 =	simm.s32 @!p0 $0x108  }
0x21: {  	s3 =	sadd.s32 s3, s9;
	s6 =	sadd.s32 @!p0 $0x88, s6;
	s7 =	simm.s32 @p2 $0x1082  }
0x22: {  	[simem:s7], [sflag:s8] =	dma.local @!p0 [hbm:s6], $0xF7A  }
0x23: {  	s9 =	sor.u32 $0xD0000000, s2;
	s6 =	simm.s32 $0x108;
	_ =	swait.ge @!p0 [sflag:s8], $0x0  }
0x24: {  	s3 =	sadd.s32 $0x88, s3;
	s6 =	simm.s32 @!p1 $0x1082;
	[sflag:s4] =	ssyncset.s32 $0xFFFFF086  }
0x25: {  	[simem:s6], [sflag:s4] =	dma.local [hbm:s3], $0xF7A  }
0x26: {  	[smem:$0x3F9B] =	sst s1;
	(tag) =	ssettag s2;
	_ =	strace s9  }
0x27: {  	s1 =	sld [smem:$0x3FAB]  }
0x28: {  	s2 =	sld [smem:$0x3FAC]  }
0x29: {  	s4 =	sld [smem:$0x3FAE]  }
0x2a: {  	p0 =	seq.s32 s5, $0x0;
	s5 =	sld [smem:$0x3FAF]  }
0x2b: {  	s6 =	sld [smem:$0x3FB0]  }
0x2c: {  	s7 =	sld [smem:$0x3FB1]  }
0x2d: {  	s3 =	simm.s32 $0x108;
	s8 =	sld [smem:$0x3FB2]  }
0x2e: {  	s3 =	simm.s32 @!p0 $0x1082;
	s9 =	sld [smem:$0x3FB3]  }
0x2f: {  	lr =	sadd.s32 s0, s3;
	s0 =	sld [smem:$0x3FAA]  }
0x30: {  	s3 =	sld [smem:$0x3FAD]  }
0x31: {  	[smem:$0x3FB6] =	sst s10  }
0x32: {  	s10 =	sld [smem:$0x3FB4];
	_ =	sdelay $0x3  }
0x33: {  	p0 =	seq.s32 s10, $0x1;
	s10 =	sld [smem:$0x3FB6];
	_ =	sdelay $0x3  }
0x34: {  	[smem:$0x3FB6] =	sst s10  }
0x35: {  	s10 =	sld [smem:$0x3FB5];
	_ =	sdelay $0x3  }
0x36: {  	p1 =	seq.s32 s10, $0x1;
	s10 =	sld [smem:$0x3FB6];
	_ =	sdelay $0x3  }
0x37: {  	[smem:$0x3FB6] =	sst s10  }
0x38: {  	s10 =	sld [smem:$0x3FB7]  }
0x39: {  	_ = 	snop;
	(pc) =	sbr.ind lr, $3  }
0x3a: {  	_ = 	snop  }
0x3b: {  	_ = 	snop  }
0x3c: {  	p2 =	seq.s32 s10, $0x1;
	s10 =	sld [smem:$0x3FB6]  }
0x3d: {  	_ =	shalt  }
0x3e: {  	_ =	shalt  }
0x3f: {  	_ =	shalt  }
0x40: {  	_ =	shalt  }
0x41: {  	_ =	shalt  }
0x42: {  	_ =	shalt  }
0x43: {  	_ =	shalt  }
0x44: {  	_ =	shalt  }
0x45: {  	_ =	shalt  }
0x46: {  	_ =	shalt  }
0x47: {  	_ =	shalt  }
0x48: {  	_ =	shalt  }
0x49: {  	_ =	shalt  }
0x4a: {  	_ =	shalt  }
0x4b: {  	_ =	shalt  }
0x4c: {  	_ =	shalt  }
0x4d: {  	_ =	shalt  }
0x4e: {  	_ =	shalt  }
0x4f: {  	_ =	shalt  }
0x50: {  	_ =	shalt  }
0x51: {  	_ =	shalt  }
0x52: {  	_ =	shalt  }
0x53: {  	_ =	shalt  }
0x54: {  	_ =	shalt  }
0x55: {  	_ =	shalt  }
0x56: {  	_ =	shalt  }
0x57: {  	_ =	shalt  }
0x58: {  	_ =	shalt  }
0x59: {  	_ =	shalt  }
0x5a: {  	_ =	shalt  }
0x5b: {  	_ =	shalt  }
0x5c: {  	_ =	shalt  }
0x5d: {  	_ =	shalt  }
0x5e: {  	_ =	shalt  }
0x5f: {  	_ =	shalt  }
0x60: {  	_ =	shalt  }
0x61: {  	_ =	shalt  }
0x62: {  	_ =	shalt  }
0x63: {  	_ =	shalt  }
0x64: {  	_ =	shalt  }
0x65: {  	_ =	shalt  }
0x66: {  	_ =	shalt  }
0x67: {  	_ =	shalt  }
0x68: {  	_ =	shalt  }
0x69: {  	_ =	shalt  }
0x6a: {  	_ =	shalt  }
0x6b: {  	_ =	shalt  }
0x6c: {  	_ =	shalt  }
0x6d: {  	_ =	shalt  }
0x6e: {  	_ =	shalt  }
0x6f: {  	_ =	shalt  }
0x70: {  	_ =	shalt  }
0x71: {  	_ =	shalt  }
0x72: {  	_ =	shalt  }
0x73: {  	_ =	shalt  }
0x74: {  	_ =	shalt  }
0x75: {  	_ =	shalt  }
0x76: {  	_ =	shalt  }
0x77: {  	_ =	shalt  }
0x78: {  	_ =	shalt  }
0x79: {  	_ =	shalt  }
0x7a: {  	_ =	shalt  }
0x7b: {  	_ =	shalt  }
0x7c: {  	_ =	shalt  }
0x7d: {  	_ =	shalt  }
0x7e: {  	_ =	shalt  }
0x7f: {  	_ =	shalt  }
0x80: {  	_ =	shalt  }
0x81: {  	_ =	shalt  }
0x82: {  	_ =	shalt  }
0x83: {  	_ =	shalt  }
0x84: {  	_ =	shalt  }
0x85: {  	_ =	shalt  }
0x86: {  	_ =	shalt  }
0x87: {  	_ =	shalt  }
.Lfunc_end0:
.L_simem_size_0:
called_computation.2_lowered:
.L_overlay_start_0:
0x88: {  	s2 =	sld [smem:$0x3FD9]  }
0x89: {  	s3 =	sld [smem:$0x3FFE];
	_ =	sdelay $0x1  }
0x8a: {  	s1 =	srdreg.scid  }
0x8b: {  	s0 =	sand.u32 $0x1, s1  }
0x8c: {  	s16 =	sshll.u32 s0, $0xA;
	s2 =	sadd.s32 s3, s2  }
0x8d: {  	s2 =	sadd.s32 s2, s16  }
0x8e: {  	[smem:$0x3FC2] =	sst s2  }
0x8f: {  	_ = 	snop  }
0x90: {  	(tm) =	ssettm $0x1  }
0x91: {  	s17 =	sld [smem:$0x3FFB];
	_ =	sdelay $0x3  }
0x92: {  	_ =	strace s17  }
0x93: {  	s2 =	sld [smem:$0x3FFC];
	_ =	sdelay $0x3  }
0x94: {  	_ =	strace s2  }
0x95: {  	s2 =	sld [smem:$0x3FFD];
	_ =	sdelay $0x3  }
0x96: {  	_ =	strace s2  }
0x97: {  	_ =	strace $0x8FFFFFFF  }
0x98: {  	s18 =	sld [smem:$0x3FDB];
	_ =	sdelay $0x1  }
0x99: {  	s19 =	simm.s32 $_scs_section_size  }
0x9a: {  	s4 =	simm.s32 $_size__tile_overlayer_lowered;
	s5 =	simm.s32 $_tile_overlayer_lowered  }
0x9b: {  	s22 =	simm.s32 $0x1BFF;
	s21 =	sshll.u32 s5, $0x1;
	s2 =	sadd.s32 s19, s18  }
0x9c: {  	s6 =	simm.s32 $0x0;
	s20 =	sshll.u32 s4, $0x1;
	s4 =	sadd.s32 s21, s2  }
0x9d: {  	[timem:s6], [sflag:s22] =	dma.local [hbm:s4], s20  }
0x9e: {  	_ =	swait.ge [sflag:s22], s20  }
0x9f: {  	s3 =	ssub.s32 $0x0, s20;
	[sflag:s22] =	ssyncset.done $0x0  }
0xa0: {  	[sflag:s22] =	ssyncadd.s32 s3;
	_ =	sdelay $0x1  }
0xa1: {  	s23 =	simm.s32 $0x1B8B  }
0xa2: {  	_ =	swait.ge [sflag:s23], $0x1  }
0xa3: {  	[sflag:s23] =	ssyncset.done $0x0  }
0xa4: {  	s25 =	simm.s32 $0x1B8E;
	s24 =	sld [smem:$0x3FFE];
	[sflag:s23] =	ssyncadd.s32 $0xFFFFFFFF  }
0xa5: {  	s26 =	simm.s32 $execute0_lowered;
	[smem:$0x3FD2] =	sst s25  }
0xa6: {  	s4 =	sshll.u32 s26, $0x1;
	_ =	strace $0x8000004C;
	[dreg:$0x1] =	wrdreg $0xFFFFFFFF  }
0xa7: {  	s28 =	simm.s32 $_size_execute0_lowered;
	s2 =	sadd.s32 s2, s4;
	[dreg:$0x0] =	wrdreg $0x0  }
0xa8: {  	s4 =	sshll.u32 s28, $0x1;
	[dreg:$0x2] =	wrdreg s2  }
0xa9: {  	[dreg:$0x3] =	wrdreg s4  }
0xaa: {  	[dreg:$0x4] =	wrdreg $0xC0  }
0xab: {  	_ =	task [dreg:s6], $0x5FFFF  }
0xac: {  	[dreg:$0x1] =	wrdreg $0xFFFFFFFF  }
0xad: {  	[dreg:$0x0] =	wrdreg $0x60  }
0xae: {  	[dreg:$0x2] =	wrdreg s24  }
0xaf: {  	[dreg:$0x3] =	wrdreg $0x9  }
0xb0: {  	_ =	task.clear_ibuf [dreg:s6], $0x4FFFF;
	_ =	strace $0x9000004C  }
0xb1: {  	s29 =	simm.s32 $0x9;
	_ =	strace $0x8000004E  }
0xb2: {  	_ =	swait.ge [sflag:s29], $0x1  }
0xb3: {  	[sflag:s29] =	ssyncadd.s32 $0xFFFFFFFF  }
0xb4: {  	_ =	strace $0x9000004E  }
0xb5: {  	_ =	sfence  }
0xb6: {  	s30 =	sld [smem:$0x0];
	_ =	sdelay $0x2  }
0xb7: {  	s31 =	sshll.u32 s1, $0xD;
	s1 =	sshrl.u32 s1, $0x2  }
0xb8: {  	s3 =	sand.u32 $0x4000, s31;
	s1 =	sadd.s32 s1, s30  }
0xb9: {  	s0 =	sor.u32 s3, s0;
	s1 =	sshll.u32 s1, $0x11  }
0xba: {  	s0 =	sor.u32 s1, s0  }
0xbb: {  	s0 =	sadd.s32 $0x8F2B, s0  }
0xbc: {  	[sflag:s0] =	ssyncadd.remote.s32 $0x1  }
0xbd: {  	_ =	sfence.sel $0xFFFF  }
0xbe: {  	[dreg:$0x0] =	wrdreg $0xFFFFFFFF;
	(pc) =	sbr.abs _section_cstart, $3  }
0xbf: {  	[dreg:$0x1] =	wrdreg $0xFFFFFFFF  }
0xc0: {  	_ =	task.clear_ibuf [dreg:s6], $0x2FFFF;
	_ =	strace $0x9FFFFFFF  }
0xc1: {  	(tm) =	ssettm $0x7FFFFFFF  }
tec
execute0_lowered:
.L_overlay_start_1:
0x0: {  	(tag) =	ssettag $0x1  }
0x1: {  	s0 =	srdreg.scid  }
0x2: {  	s4 =	rddreg [dreg:$0x0];
	s1 =	stileid.u32;
	s2 =	simm.s32 $0x0  }
0x3: {  	s10 =	simm.s32 $0x7530;
	s11 =	simm.s32 $0x9C40;
	s3 =	sand.u32 $0x1, s0  }
0x4: {  	s12 =	simm.s32 $0x2;
	s0 =	rddreg [dreg:$0x1];
	s5 =	sshll.u32 s3, $0x4  }
0x5: {  	s13 =	simm.s32 $0x0;
	[smem:$0x7FF] =	sst s2;
	s5 =	sor.u32 s1, s5  }
0x6: {  	_ =	strace $0x8000004D;
	s7 =	ssub.s32 $0x2, s3;
	s6 =	smul.u32 $0x4E2, s5  }
0x7: {  	s3 =	sadd.s32 $0x14600, s4;
	s8 =	sshrl.u32 s7, $0x1;
	s5 =	smul.u32 $0x9C4, s5  }
0x8: {  	s7 =	ssub.s32 s7, s8;
	s8 =	simm.s32 $0x1;
	s6 =	sadd.s32 s6, s4  }
0x9: {  	s7 =	smax.u32 s7, $0x1;
	s9 =	sadd.s32 s5, s4;
	s4 =	sadd.s32 $0xA00, s6  }
0xa: {  	v0 =	vimm.f32 $0.0e+00;
	s5 =	sadd.s32 $0xA800, s6;
	s6 =	sadd.s32 $0x15000, s9;
	s9 =	simm.s32 $0x4E20  }
.LBB2_1:
0xb: {  	[tilespmem:s2], [sflag:$0x1] =	stream.linear.gather [hbm4b:s3+s2], $0x4E20, $0x38;
	[tilespmem:$0xEA60] =	vst v63  }
0xc: {  	_ =	swait.ge [sflag:s8], $0x4E20  }
0xd: {  	[sflag:s8] =	ssyncset.done $0x0  }
0xe: {  	[sflag:s8] =	ssyncadd.s32 $0xFFFFB1E0  }
0xf: {  	[tilespmem:s9], [sflag:$0x1] =	stream.linear.gather [hbm4b:s4+s2], $0x2710, $0x38;
	[tilespmem:$0xEA60] =	vst v63  }
0x10: {  	_ =	swait.ge [sflag:s8], $0x2710  }
0x11: {  	[sflag:s8] =	ssyncset.done $0x0  }
0x12: {  	[sflag:s8] =	ssyncadd.s32 $0xFFFFD8F0  }
0x13: {  	[tilespmem:s10], [sflag:$0x1] =	stream.linear.gather [hbm4b:s5+s2], $0x2710, $0x38;
	[tilespmem:$0xEA60] =	vst v63  }
0x14: {  	_ =	swait.ge [sflag:s8], $0x2710  }
0x15: {  	[sflag:s8] =	ssyncset.done $0x0  }
0x16: {  	s14 =	simm.s32 $0x0;
	[sflag:s8] =	ssyncadd.s32 $0xFFFFD8F0  }
.LBB2_2:
0x17: {  	p0 =	sne.s32 s14, $0x13840  }
.Ltmp0:
0x18: {  	_ = 	snop;
	(pc) =	sbr.rel @p0 .LBB2_2-.Ltmp0, $3  }
0x19: {  	_ =	sdelay $0x1  }
0x1a: {  	s15 =	sshra.s32 s14, $0x2  }
0x1b: {  	s14 =	sadd.s32 $0x40, s14;
	[tilespmem:s15+$0x9C40] =	vst v0  }
0x1c: {  	s15 =	simm.s32 $0x0;
	s14 =	simm.s32 $0x40  }
.LBB2_4:
0x1d: {  	p0 =	sne.s32 s14, $0x9C00;
	v1 =	vld [tilespmem:s15+$0x4E20];
	_ =	sdelay $0x4  }
0x1e: {  	v1 =	vshll.u32 v1, $0x1  }
0x1f: {  	v2 =	vld [tilespmem:s15+$0x7530];
	v3 =	vor.u32 $0x1, v1;
	_ =	sdelay $0x3  }
0x20: {  	v1 =	vld.idx.msk [tilespmem:v1+s2+$0x0], $0xffff  }
0x21: {  	v2 =	vshll.u32 v2, $0x1;
	v3 =	vld.idx.msk [tilespmem:v3+s2+$0x0], $0xffff  }
0x22: {  	v4 =	vor.u32 $0x1, v2  }
.Ltmp1:
0x23: {  	(pc) =	sbr.rel @p0 .LBB2_4-.Ltmp1, $3  }
0x24: {  	_ =	sdelay $0x1  }
0x25: {  	[tilespmem:v2+s11+$0x0] =	vst.idx.add.f32.msk $0xffff, v1  }
0x26: {  	s15 =	sshra.s32 s14, $0x2;
	s14 =	sadd.s32 $0x40, s14;
	[tilespmem:v4+s11+$0x0] =	vst.idx.add.f32.msk $0xffff, v3  }
0x27: {  	v1 =	vld [tilespmem:s15+$0x4E20];
	_ =	sdelay $0x4  }
0x28: {  	v2 =	vld [tilespmem:s15+$0x7530];
	v1 =	vshll.u32 v1, $0x1  }
0x29: {  	v3 =	vor.u32 $0x1, v1;
	_ =	sdelay $0x3  }
0x2a: {  	v2 =	vshll.u32 v2, $0x1;
	v1 =	vld.idx.msk [tilespmem:v1+s2+$0x0], $0xffff  }
0x2b: {  	v4 =	vor.u32 $0x1, v2;
	v3 =	vld.idx.msk [tilespmem:v3+s2+$0x0], $0xffff;
	_ =	sdelay $0x2  }
0x2c: {  	s13 =	sadd.s32 $0x1, s13  }
0x2d: {  	p0 =	sne.s32 s13, s7;
	[tilespmem:v2+s11+$0x0] =	vst.idx.add.f32.msk $0xffff, v1  }
.Ltmp2:
0x2e: {  	[tilespmem:v4+s11+$0x0] =	vst.idx.add.f32.msk $0xffff, v3;
	(pc) =	sbr.rel @p0 .LBB2_1-.Ltmp2, $4  }
0x2f: {  	[hbm4b:s6+s2] =	stream.linear.scatter [tilespmem:s11], [sflag:$0x2], $0x4E20, $0x38;
	[tilespmem:$0xEA60] =	vst v63  }
0x30: {  	_ =	swait.ge [sflag:s12], $0x4E20  }
0x31: {  	[sflag:s12] =	ssyncset.done $0x0  }
0x32: {  	[sflag:s12] =	ssyncadd.s32 $0xFFFFB1E0  }
0x33: {  	_ =	sfence.sel $0x180000  }
0x34: {  	[bflag:$0x0] =	sbarrier.arrive $0xFFFF  }
0x35: {  	p0 =	sne.s32 s1, $0x0;
	_ =	strace $0x9000004D  }
0x36: {  	s0 =	sadd.s32 @!p0 $0x100000, s0;
	[bflag:$0x2] =	sbarrier.arrive $0xFFFF  }
0x37: {  	[sflag:s0] =	ssyncadd.tile.s32 @!p0 $0x1;
	_ =	shalt  }
.Lfunc_end2:
_tile_overlayer_lowered:
.L_overlay_start_2:
0x38: {  	(tag) =	ssettag $0x2  }
0x39: {  	s0 =	rddreg [dreg:$0x0];
	s2 =	stileid.u32  }
0x3a: {  	s1 =	rddreg [dreg:$0x1];
	p0 =	sne.s32 s2, $0x0  }
0x3b: {  	s3 =	rddreg [dreg:$0x2];
	[bflag:$0x3] =	sbarrier.arrive $0xFFFF;
	s2 =	simm.s32 @!p0 $0x1C02  }
0x3c: {  	[timem:s3], [sflag:s2] =	dma.local @!p0 [hbm:s0], s1  }
0x3d: {  	s0 =	simm.s32 @!p0 $0x2  }
0x3e: {  	_ =	swait.ge @!p0 [sflag:s0], s1  }
0x3f: {  	s1 =	ssub.s32 @!p0 $0x0, s1;
	[sflag:s0] =	ssyncset.done @!p0 $0x0  }
0x40: {  	[sflag:s0] =	ssyncadd.s32 @!p0 s1  }
0x41: {  	[bflag:$0x3] =	sbarrier.arrive $0xFFFF  }
0x42: {  	_ =	shalt  }

// kernel: kernel.8.cloned.1.call-start
scs
__scs_entry_jumppad:
0x0: {  	(pc) =	sbr.rel $0x88, $3  }
0x1: {  	(tag) =	ssettag $0x0;
	lr =	simm.s32 $0x1  }
0x2: {  	[smem:$0x3F9B] =	sst lr;
	_ =	strace $0xD0000000  }
0x3: {  	_ = 	snop  }
0x4: {  	_ = 	snop  }
0x5: {  	_ = 	snop  }
0x6: {  	_ = 	snop  }
0x7: {  	_ = 	snop  }
__scs_overlays_trampoline_lowered:
0x8: {  	[smem:$0x3FAA] =	sst s0  }
0x9: {  	[smem:$0x3FAB] =	sst s1  }
0xa: {  	[smem:$0x3FAC] =	sst s2  }
0xb: {  	[smem:$0x3FAD] =	sst s3  }
0xc: {  	[smem:$0x3FAE] =	sst s4  }
0xd: {  	[smem:$0x3FAF] =	sst s5  }
0xe: {  	[smem:$0x3FB0] =	sst s6  }
0xf: {  	[smem:$0x3FB1] =	sst s7  }
0x10: {  	[smem:$0x3FB2] =	sst s8  }
0x11: {  	[smem:$0x3FB3] =	sst s9;
	s0 =	simm.s32 @!p0 $0x0  }
0x12: {  	s1 =	sld [smem:$0x3F99];
	s0 =	simm.s32 @p0 $0x1  }
0x13: {  	[smem:$0x3FB4] =	sst s0;
	s0 =	simm.s32 @!p1 $0x0  }
0x14: {  	s2 =	sld [smem:$0x3F98];
	s0 =	simm.s32 @p1 $0x1  }
0x15: {  	[smem:$0x3FB5] =	sst s0;
	s0 =	simm.s32 @!p2 $0x0  }
0x16: {  	s3 =	sld [smem:$0x3FDB];
	s0 =	simm.s32 @p2 $0x1  }
0x17: {  	s4 =	simm.s32 $0x1BF5;
	[smem:$0x3FB7] =	sst s0  }
0x18: {  	s0 =	sld [smem:$0x3F9A];
	_ =	swait.ge [sflag:s4], $0x0  }
0x19: {  	s7 =	sld [smem:$0x3F9B]  }
0x1a: {  	s8 =	sadd.s32 $0xFFFFE003, lr  }
0x1b: {  	s9 =	sadd.s32 $0xFFFFFEF7, lr;
	s5 =	simm.s32 $0xFFFFFFFF;
	p2 =	slt.u32 s8, $0xFFFFF086  }
0x1c: {  	p1 =	slt.u32 s9, $0xF7A;
	s5 =	simm.s32 @!p2 $0x0  }
0x1d: {  	s5 =	simm.s32 @p1 $0x1;
	p0 =	seq.s32 s7, s2  }
0x1e: {  	s7 =	smul.u32 @!p0 $0xF7A, s2;
	p2 =	seq.s32 @!p0 s5, $0x0  }
0x1f: {  	s9 =	smul.u32 $0xF7A, s1;
	s8 =	simm.s32 @!p0 $0x1BF5;
	p2 =	por !p2, p0  }
0x20: {  	[sflag:s8] =	ssyncset.s32 @!p0 $0xFFFFF086;
	s6 =	sadd.s32 @!p0 s3, s7;
	s7 =	simm.s32 @!p0 $0x108  }
0x21: {  	s3 =	sadd.s32 s3, s9;
	s6 =	sadd.s32 @!p0 $0x88, s6;
	s7 =	simm.s32 @p2 $0x1082  }
0x22: {  	[simem:s7], [sflag:s8] =	dma.local @!p0 [hbm:s6], $0xF7A  }
0x23: {  	s9 =	sor.u32 $0xD0000000, s2;
	s6 =	simm.s32 $0x108;
	_ =	swait.ge @!p0 [sflag:s8], $0x0  }
0x24: {  	s3 =	sadd.s32 $0x88, s3;
	s6 =	simm.s32 @!p1 $0x1082;
	[sflag:s4] =	ssyncset.s32 $0xFFFFF086  }
0x25: {  	[simem:s6], [sflag:s4] =	dma.local [hbm:s3], $0xF7A  }
0x26: {  	[smem:$0x3F9B] =	sst s1;
	(tag) =	ssettag s2;
	_ =	strace s9  }
0x27: {  	s1 =	sld [smem:$0x3FAB]  }
0x28: {  	s2 =	sld [smem:$0x3FAC]  }
0x29: {  	s4 =	sld [smem:$0x3FAE]  }
0x2a: {  	p0 =	seq.s32 s5, $0x0;
	s5 =	sld [smem:$0x3FAF]  }
0x2b: {  	s6 =	sld [smem:$0x3FB0]  }
0x2c: {  	s7 =	sld [smem:$0x3FB1]  }
0x2d: {  	s3 =	simm.s32 $0x108;
	s8 =	sld [smem:$0x3FB2]  }
0x2e: {  	s3 =	simm.s32 @!p0 $0x1082;
	s9 =	sld [smem:$0x3FB3]  }
0x2f: {  	lr =	sadd.s32 s0, s3;
	s0 =	sld [smem:$0x3FAA]  }
0x30: {  	s3 =	sld [smem:$0x3FAD]  }
0x31: {  	[smem:$0x3FB6] =	sst s10  }
0x32: {  	s10 =	sld [smem:$0x3FB4];
	_ =	sdelay $0x3  }
0x33: {  	p0 =	seq.s32 s10, $0x1;
	s10 =	sld [smem:$0x3FB6];
	_ =	sdelay $0x3  }
0x34: {  	[smem:$0x3FB6] =	sst s10  }
0x35: {  	s10 =	sld [smem:$0x3FB5];
	_ =	sdelay $0x3  }
0x36: {  	p1 =	seq.s32 s10, $0x1;
	s10 =	sld [smem:$0x3FB6];
	_ =	sdelay $0x3  }
0x37: {  	[smem:$0x3FB6] =	sst s10  }
0x38: {  	s10 =	sld [smem:$0x3FB7]  }
0x39: {  	_ = 	snop;
	(pc) =	sbr.ind lr, $3  }
0x3a: {  	_ = 	snop  }
0x3b: {  	_ = 	snop  }
0x3c: {  	p2 =	seq.s32 s10, $0x1;
	s10 =	sld [smem:$0x3FB6]  }
0x3d: {  	_ =	shalt  }
0x3e: {  	_ =	shalt  }
0x3f: {  	_ =	shalt  }
0x40: {  	_ =	shalt  }
0x41: {  	_ =	shalt  }
0x42: {  	_ =	shalt  }
0x43: {  	_ =	shalt  }
0x44: {  	_ =	shalt  }
0x45: {  	_ =	shalt  }
0x46: {  	_ =	shalt  }
0x47: {  	_ =	shalt  }
0x48: {  	_ =	shalt  }
0x49: {  	_ =	shalt  }
0x4a: {  	_ =	shalt  }
0x4b: {  	_ =	shalt  }
0x4c: {  	_ =	shalt  }
0x4d: {  	_ =	shalt  }
0x4e: {  	_ =	shalt  }
0x4f: {  	_ =	shalt  }
0x50: {  	_ =	shalt  }
0x51: {  	_ =	shalt  }
0x52: {  	_ =	shalt  }
0x53: {  	_ =	shalt  }
0x54: {  	_ =	shalt  }
0x55: {  	_ =	shalt  }
0x56: {  	_ =	shalt  }
0x57: {  	_ =	shalt  }
0x58: {  	_ =	shalt  }
0x59: {  	_ =	shalt  }
0x5a: {  	_ =	shalt  }
0x5b: {  	_ =	shalt  }
0x5c: {  	_ =	shalt  }
0x5d: {  	_ =	shalt  }
0x5e: {  	_ =	shalt  }
0x5f: {  	_ =	shalt  }
0x60: {  	_ =	shalt  }
0x61: {  	_ =	shalt  }
0x62: {  	_ =	shalt  }
0x63: {  	_ =	shalt  }
0x64: {  	_ =	shalt  }
0x65: {  	_ =	shalt  }
0x66: {  	_ =	shalt  }
0x67: {  	_ =	shalt  }
0x68: {  	_ =	shalt  }
0x69: {  	_ =	shalt  }
0x6a: {  	_ =	shalt  }
0x6b: {  	_ =	shalt  }
0x6c: {  	_ =	shalt  }
0x6d: {  	_ =	shalt  }
0x6e: {  	_ =	shalt  }
0x6f: {  	_ =	shalt  }
0x70: {  	_ =	shalt  }
0x71: {  	_ =	shalt  }
0x72: {  	_ =	shalt  }
0x73: {  	_ =	shalt  }
0x74: {  	_ =	shalt  }
0x75: {  	_ =	shalt  }
0x76: {  	_ =	shalt  }
0x77: {  	_ =	shalt  }
0x78: {  	_ =	shalt  }
0x79: {  	_ =	shalt  }
0x7a: {  	_ =	shalt  }
0x7b: {  	_ =	shalt  }
0x7c: {  	_ =	shalt  }
0x7d: {  	_ =	shalt  }
0x7e: {  	_ =	shalt  }
0x7f: {  	_ =	shalt  }
0x80: {  	_ =	shalt  }
0x81: {  	_ =	shalt  }
0x82: {  	_ =	shalt  }
0x83: {  	_ =	shalt  }
0x84: {  	_ =	shalt  }
0x85: {  	_ =	shalt  }
0x86: {  	_ =	shalt  }
0x87: {  	_ =	shalt  }
.Lfunc_end0:
.L_simem_size_0:
called_computation_lowered:
.L_overlay_start_0:
0x88: {  	s2 =	sld [smem:$0x3FD9]  }
0x89: {  	s3 =	sld [smem:$0x3FFE];
	_ =	sdelay $0x1  }
0x8a: {  	s1 =	srdreg.scid  }
0x8b: {  	s0 =	sand.u32 $0x1, s1  }
0x8c: {  	s16 =	sshll.u32 s0, $0xA;
	s2 =	sadd.s32 s3, s2  }
0x8d: {  	s2 =	sadd.s32 s2, s16  }
0x8e: {  	[smem:$0x3FC2] =	sst s2  }
0x8f: {  	_ = 	snop  }
0x90: {  	(tm) =	ssettm $0x1  }
0x91: {  	s17 =	sld [smem:$0x3FFB];
	_ =	sdelay $0x3  }
0x92: {  	_ =	strace s17  }
0x93: {  	s2 =	sld [smem:$0x3FFC];
	_ =	sdelay $0x3  }
0x94: {  	_ =	strace s2  }
0x95: {  	s2 =	sld [smem:$0x3FFD];
	_ =	sdelay $0x3  }
0x96: {  	_ =	strace s2  }
0x97: {  	_ =	strace $0x8FFFFFFF  }
0x98: {  	s18 =	sld [smem:$0x3FDB];
	_ =	sdelay $0x1  }
0x99: {  	s19 =	simm.s32 $_scs_section_size  }
0x9a: {  	s4 =	simm.s32 $_size__tile_overlayer_lowered;
	s5 =	simm.s32 $_tile_overlayer_lowered  }
0x9b: {  	s22 =	simm.s32 $0x1BFF;
	s21 =	sshll.u32 s5, $0x1;
	s2 =	sadd.s32 s19, s18  }
0x9c: {  	s6 =	simm.s32 $0x0;
	s20 =	sshll.u32 s4, $0x1;
	s4 =	sadd.s32 s21, s2  }
0x9d: {  	[timem:s6], [sflag:s22] =	dma.local [hbm:s4], s20  }
0x9e: {  	_ =	swait.ge [sflag:s22], s20  }
0x9f: {  	s3 =	ssub.s32 $0x0, s20;
	[sflag:s22] =	ssyncset.done $0x0  }
0xa0: {  	[sflag:s22] =	ssyncadd.s32 s3;
	_ =	sdelay $0x1  }
0xa1: {  	s23 =	simm.s32 $0x1B8B  }
0xa2: {  	_ =	swait.ge [sflag:s23], $0x1  }
0xa3: {  	[sflag:s23] =	ssyncset.done $0x0  }
0xa4: {  	s25 =	simm.s32 $0x1B8E;
	s24 =	sld [smem:$0x3FFE];
	[sflag:s23] =	ssyncadd.s32 $0xFFFFFFFF  }
0xa5: {  	s26 =	simm.s32 $execute0_lowered;
	[smem:$0x3FD2] =	sst s25  }
0xa6: {  	s4 =	sshll.u32 s26, $0x1;
	_ =	strace $0x80000046;
	[dreg:$0x1] =	wrdreg $0xFFFFFFFF  }
0xa7: {  	s28 =	simm.s32 $_size_execute0_lowered;
	s2 =	sadd.s32 s2, s4;
	[dreg:$0x0] =	wrdreg $0x0  }
0xa8: {  	s4 =	sshll.u32 s28, $0x1;
	[dreg:$0x2] =	wrdreg s2  }
0xa9: {  	[dreg:$0x3] =	wrdreg s4  }
0xaa: {  	[dreg:$0x4] =	wrdreg $0xC0  }
0xab: {  	_ =	task [dreg:s6], $0x5FFFF  }
0xac: {  	[dreg:$0x1] =	wrdreg $0xFFFFFFFF  }
0xad: {  	[dreg:$0x0] =	wrdreg $0x60  }
0xae: {  	[dreg:$0x2] =	wrdreg s24  }
0xaf: {  	[dreg:$0x3] =	wrdreg $0x9  }
0xb0: {  	_ =	task.clear_ibuf [dreg:s6], $0x4FFFF;
	_ =	strace $0x90000046  }
0xb1: {  	s29 =	simm.s32 $0x9;
	_ =	strace $0x80000048  }
0xb2: {  	_ =	swait.ge [sflag:s29], $0x1  }
0xb3: {  	[sflag:s29] =	ssyncadd.s32 $0xFFFFFFFF  }
0xb4: {  	_ =	strace $0x90000048  }
0xb5: {  	_ =	sfence  }
0xb6: {  	s30 =	sld [smem:$0x0];
	_ =	sdelay $0x2  }
0xb7: {  	s31 =	sshll.u32 s1, $0xD;
	s1 =	sshrl.u32 s1, $0x2  }
0xb8: {  	s3 =	sand.u32 $0x4000, s31;
	s1 =	sadd.s32 s1, s30  }
0xb9: {  	s0 =	sor.u32 s3, s0;
	s1 =	sshll.u32 s1, $0x11  }
0xba: {  	s0 =	sor.u32 s1, s0  }
0xbb: {  	s0 =	sadd.s32 $0x8F2B, s0  }
0xbc: {  	[sflag:s0] =	ssyncadd.remote.s32 $0x1  }
0xbd: {  	_ =	sfence.sel $0xFFFF  }
0xbe: {  	[dreg:$0x0] =	wrdreg $0xFFFFFFFF;
	(pc) =	sbr.abs _section_cstart, $3  }
0xbf: {  	[dreg:$0x1] =	wrdreg $0xFFFFFFFF  }
0xc0: {  	_ =	task.clear_ibuf [dreg:s6], $0x2FFFF;
	_ =	strace $0x9FFFFFFF  }
0xc1: {  	(tm) =	ssettm $0x7FFFFFFF  }
tec
execute0_lowered:
.L_overlay_start_1:
0x0: {  	(tag) =	ssettag $0x1  }
0x1: {  	s0 =	srdreg.scid  }
0x2: {  	s4 =	rddreg [dreg:$0x0];
	s2 =	simm.s32 $0x0;
	s3 =	sand.u32 $0x1, s0  }
0x3: {  	s6 =	simm.s32 $0x1;
	s0 =	stileid.u32;
	s1 =	sshll.u32 s3, $0x4  }
0x4: {  	s7 =	simm.s32 $0x2710;
	s8 =	simm.s32 $0x2;
	s1 =	sor.u32 s0, s1  }
0x5: {  	[smem:$0x7FF] =	sst s2;
	s3 =	ssub.s32 $0x2, s3;
	s5 =	smul.u32 $0x4E2, s1  }
0x6: {  	s9 =	simm.s32 $0x0;
	s31 =	sshrl.u32 s3, $0x1;
	s1 =	rddreg [dreg:$0x1]  }
0x7: {  	_ =	strace $0x80000047;
	s4 =	sadd.s32 s5, s4;
	s5 =	ssub.s32 s3, s31  }
0x8: {  	v0 =	vimm.f32 $0.0e+00;
	v1 =	vimm.f32 $1.000000000e+00;
	s3 =	sadd.s32 $0xA800, s4;
	s4 =	sadd.s32 $0x14600, s4;
	s5 =	smax.u32 s5, $0x1  }
.LBB2_1:
0x9: {  	[tilespmem:s2], [sflag:$0x1] =	stream.linear.gather [hbm4b:s3+s2], $0x2710, $0x38;
	[tilespmem:$0x4E20] =	vst v63  }
0xa: {  	_ =	swait.ge [sflag:s6], $0x2710  }
0xb: {  	[sflag:s6] =	ssyncset.done $0x0  }
0xc: {  	s10 =	simm.s32 $0x0;
	[sflag:s6] =	ssyncadd.s32 $0xFFFFD8F0  }
.LBB2_2:
0xd: {  	p0 =	sne.s32 s10, $0x9C00  }
.Ltmp0:
0xe: {  	_ = 	snop;
	(pc) =	sbr.rel @p0 .LBB2_2-.Ltmp0, $3  }
0xf: {  	_ =	sdelay $0x1  }
0x10: {  	s11 =	sshra.s32 s10, $0x2  }
0x11: {  	s10 =	sadd.s32 $0x40, s10;
	[tilespmem:s11+$0x2710] =	vst v0  }
0x12: {  	s11 =	simm.s32 $0x0;
	s10 =	simm.s32 $0x40  }
.LBB2_4:
0x13: {  	p0 =	sne.s32 s10, $0x9C00;
	v2 =	vld [tilespmem:s11+$0x0];
	_ =	sdelay $0x3  }
.Ltmp1:
0x14: {  	(pc) =	sbr.rel @p0 .LBB2_4-.Ltmp1, $2  }
0x15: {  	_ =	sdelay $0x2  }
0x16: {  	s11 =	sshra.s32 s10, $0x2;
	s10 =	sadd.s32 $0x40, s10;
	[tilespmem:v2+s7+$0x0] =	vst.idx.add.f32.msk $0xffff, v1  }
0x17: {  	v2 =	vld [tilespmem:s11+$0x0];
	_ =	sdelay $0x5  }
0x18: {  	s9 =	sadd.s32 $0x1, s9  }
0x19: {  	p0 =	sne.s32 s9, s5  }
.Ltmp2:
0x1a: {  	[tilespmem:v2+s7+$0x0] =	vst.idx.add.f32.msk $0xffff, v1;
	(pc) =	sbr.rel @p0 .LBB2_1-.Ltmp2, $4  }
0x1b: {  	[hbm4b:s4+s2] =	stream.linear.scatter [tilespmem:s7], [sflag:$0x2], $0x2710, $0x38;
	[tilespmem:$0x4E20] =	vst v63  }
0x1c: {  	_ =	swait.ge [sflag:s8], $0x2710  }
0x1d: {  	[sflag:s8] =	ssyncset.done $0x0  }
0x1e: {  	[sflag:s8] =	ssyncadd.s32 $0xFFFFD8F0  }
0x1f: {  	_ =	sfence.sel $0x180000  }
0x20: {  	[bflag:$0x0] =	sbarrier.arrive $0xFFFF  }
0x21: {  	p0 =	sne.s32 s0, $0x0;
	_ =	strace $0x90000047  }
0x22: {  	s0 =	sadd.s32 @!p0 $0x100000, s1;
	[bflag:$0x2] =	sbarrier.arrive $0xFFFF  }
0x23: {  	[sflag:s0] =	ssyncadd.tile.s32 @!p0 $0x1;
	_ =	shalt  }
.Lfunc_end2:
_tile_overlayer_lowered:
.L_overlay_start_2:
0x24: {  	(tag) =	ssettag $0x2  }
0x25: {  	s0 =	rddreg [dreg:$0x0];
	s2 =	stileid.u32  }
0x26: {  	s1 =	rddreg [dreg:$0x1];
	p0 =	sne.s32 s2, $0x0  }
0x27: {  	s3 =	rddreg [dreg:$0x2];
	[bflag:$0x3] =	sbarrier.arrive $0xFFFF;
	s2 =	simm.s32 @!p0 $0x1C02  }
0x28: {  	[timem:s3], [sflag:s2] =	dma.local @!p0 [hbm:s0], s1  }
0x29: {  	s0 =	simm.s32 @!p0 $0x2  }
0x2a: {  	_ =	swait.ge @!p0 [sflag:s0], s1  }
0x2b: {  	s1 =	ssub.s32 @!p0 $0x0, s1;
	[sflag:s0] =	ssyncset.done @!p0 $0x0  }
0x2c: {  	[sflag:s0] =	ssyncadd.s32 @!p0 s1  }
0x2d: {  	[bflag:$0x3] =	sbarrier.arrive $0xFFFF  }
0x2e: {  	_ =	shalt  }

</sc_bundles>
